<compile_context>
chip_gen: v7x
topology: tpu7x:2x2x1
jax: 0.10.2.dev20260603
libtpu: 0.0.44.dev20260713+nightly
codegen_flags: <defaults>
</compile_context>

<pallas_src>
import functools

import jax
import jax.numpy as jnp
from jax import lax
from jax.experimental import pallas as pl
from jax.experimental.pallas import tpu as pltpu
from jax.experimental.pallas import tpu_sc as plsc

B, S, D = 4, 8192, 1024
NW = 32
S_PER_W = S // NW
R = 8
NCH = S_PER_W // R
VPR = D // 16

_mesh = plsc.VectorSubcoreMesh(core_axis_name="c", subcore_axis_name="s")


@functools.partial(
    pl.kernel,
    mesh=_mesh,
    out_type=jax.ShapeDtypeStruct((B, S, D), jnp.float32),
    scratch_types=(
        [pltpu.VMEM((R, D), jnp.float32)] * 2
        + [pltpu.VMEM((R, D), jnp.float32)] * 8
        + [pltpu.SemaphoreType.DMA]
        + [pltpu.SemaphoreType.DMA] * 8
        + [pltpu.SemaphoreType.DMA] * 8
    ),
)
def _sc_add(x_hbm, t_hbm, o_hbm, t0, t1,
            q0, q1, q2, q3, q4, q5, q6, q7,
            st,
            sx0, sx1, sx2, sx3, sx4, sx5, sx6, sx7,
            so0, so1, so2, so3, so4, so5, so6, so7):
    wid = lax.axis_index("s") * 2 + lax.axis_index("c")
    s_base = wid * S_PER_W
    qs = (q0, q1, q2, q3, q4, q5, q6, q7)
    sxs = (sx0, sx1, sx2, sx3, sx4, sx5, sx6, sx7)
    sos = (so0, so1, so2, so3, so4, so5, so6, so7)

    def t_sl(ci):
        return t_hbm.at[pl.ds(s_base + ci * R, R)]

    def x_sl(b, ci):
        return x_hbm.at[b, pl.ds(s_base + ci * R, R)]

    def o_sl(b, ci):
        return o_hbm.at[b, pl.ds(s_base + ci * R, R)]

    def so_drain(q):
        pltpu.make_async_copy(qs[q], o_hbm.at[0, pl.ds(0, R)], sos[q]).wait()

    def do_chunk(ci, tcur, tnext, par, first_pred=None, last_pred=None):
        pltpu.make_async_copy(t_sl(ci), tcur, st).wait()
        if last_pred is None:
            pltpu.async_copy(t_sl(ci + 1), tnext, st)
        else:
            def _tn():
                pltpu.async_copy(t_sl(ci + 1), tnext, st)
            pl.when(jnp.logical_not(last_pred))(_tn)
        for b in range(B):
            q = b + par
            qn = (q + 4) % 8
            xb = qs[q]
            pltpu.make_async_copy(x_sl(b, ci), xb, sxs[q]).wait()
            if first_pred is None:
                so_drain(qn)
            else:
                pl.when(jnp.logical_not(first_pred))(
                    functools.partial(so_drain, qn))
            if last_pred is None:
                pltpu.async_copy(x_sl(b, ci + 1), qs[qn], sxs[qn])
            else:
                def _xn():
                    pltpu.async_copy(x_sl(b, ci + 1), qs[qn], sxs[qn])
                pl.when(jnp.logical_not(last_pred))(_xn)

            def row(r, c2):
                @plsc.parallel_loop(0, VPR, unroll=8)
                def _vec(cv):
                    col = cv * 16
                    v = tcur[r, pl.ds(col, 16)]
                    plsc.addupdate(xb.at[r, pl.ds(col, 16)], v)
                return c2

            lax.fori_loop(0, R, row, 0)
            pltpu.async_copy(xb, o_sl(b, ci), sos[q])

    pltpu.async_copy(t_sl(0), t0, st)
    for b in range(B):
        pltpu.async_copy(x_sl(b, 0), qs[b], sxs[b])

    def pair(j, carry):
        ci = 2 * j
        do_chunk(ci, t0, t1, 0, first_pred=j == 0)
        do_chunk(ci + 1, t1, t0, 4, last_pred=j == (NCH // 2 - 1))
        return carry

    lax.fori_loop(0, NCH // 2, pair, 0)

    so_drain(4)
    so_drain(5)
    so_drain(6)
    so_drain(7)


def kernel(x, embedding_table):
    return _sc_add(x, embedding_table)

# --- scband reference (transcript-rebuilt; emitter-appended) ---
"""Pipeline reference for scband-learnable-positional-encoding-53850299957639 (READ-ONLY COPY).

The authoritative reference and input builder live on the scoring server;
editing this copy changes nothing except your own understanding.
"""

import jax, jax.numpy as jnp
import numpy as np

D_MODEL = 1024
MAX_LEN = 8192

def setup_inputs(seed: int = 0) -> dict:
    key = jax.random.key(seed)
    k1, k2 = jax.random.split(key)
    x = jax.random.normal(k1, (4, 8192, D_MODEL), dtype=jnp.float32)
    embedding_table = jax.random.normal(k2, (MAX_LEN, D_MODEL), dtype=jnp.float32)
    return {"x": x, "embedding_table": embedding_table}

def reference(x, embedding_table):
    # position = arange(seq_len)[None, :]
    position = jnp.arange(x.shape[1])[None, :]              # [1, S]
    pos_emb = jnp.take(embedding_table, position, axis=0)    # [1, S, D] gather
    out = x + pos_emb                                         # broadcast over batch
    # dropout p=0.0 -> identity
    return out

if __name__ == "__main__":
    import jax
    _d = setup_inputs()
    print(jax.jit(kernel)(*tuple(_d.values())))

</pallas_src>

<mosaic_0001>
#map = affine_map<(d0, d1) -> (0, 0, 0)>
#map1 = affine_map<(d0, d1) -> (0, 0)>
module attributes {stable_mosaic.version = 14 : i64} {
  func.func @_sc_add(%arg0: i32, %arg1: i32, %arg2: memref<4x8192x1024xf32, #tpu.memory_space<hbm>>, %arg3: memref<8192x1024xf32, #tpu.memory_space<hbm>>, %arg4: memref<4x8192x1024xf32, #tpu.memory_space<hbm>>, %arg5: memref<8x1024xf32, #tpu.memory_space<vmem>>, %arg6: memref<8x1024xf32, #tpu.memory_space<vmem>>, %arg7: memref<8x1024xf32, #tpu.memory_space<vmem>>, %arg8: memref<8x1024xf32, #tpu.memory_space<vmem>>, %arg9: memref<8x1024xf32, #tpu.memory_space<vmem>>, %arg10: memref<8x1024xf32, #tpu.memory_space<vmem>>, %arg11: memref<8x1024xf32, #tpu.memory_space<vmem>>, %arg12: memref<8x1024xf32, #tpu.memory_space<vmem>>, %arg13: memref<8x1024xf32, #tpu.memory_space<vmem>>, %arg14: memref<8x1024xf32, #tpu.memory_space<vmem>>, %arg15: memref<!tpu.dma_semaphore, #tpu.memory_space<semaphore_mem>>, %arg16: memref<!tpu.dma_semaphore, #tpu.memory_space<semaphore_mem>>, %arg17: memref<!tpu.dma_semaphore, #tpu.memory_space<semaphore_mem>>, %arg18: memref<!tpu.dma_semaphore, #tpu.memory_space<semaphore_mem>>, %arg19: memref<!tpu.dma_semaphore, #tpu.memory_space<semaphore_mem>>, %arg20: memref<!tpu.dma_semaphore, #tpu.memory_space<semaphore_mem>>, %arg21: memref<!tpu.dma_semaphore, #tpu.memory_space<semaphore_mem>>, %arg22: memref<!tpu.dma_semaphore, #tpu.memory_space<semaphore_mem>>, %arg23: memref<!tpu.dma_semaphore, #tpu.memory_space<semaphore_mem>>, %arg24: memref<!tpu.dma_semaphore, #tpu.memory_space<semaphore_mem>>, %arg25: memref<!tpu.dma_semaphore, #tpu.memory_space<semaphore_mem>>, %arg26: memref<!tpu.dma_semaphore, #tpu.memory_space<semaphore_mem>>, %arg27: memref<!tpu.dma_semaphore, #tpu.memory_space<semaphore_mem>>, %arg28: memref<!tpu.dma_semaphore, #tpu.memory_space<semaphore_mem>>, %arg29: memref<!tpu.dma_semaphore, #tpu.memory_space<semaphore_mem>>, %arg30: memref<!tpu.dma_semaphore, #tpu.memory_space<semaphore_mem>>, %arg31: memref<!tpu.dma_semaphore, #tpu.memory_space<semaphore_mem>>) attributes {dimension_semantics = [#tpu.dimension_semantics<core_parallel>, #tpu.dimension_semantics<subcore_parallel>], iteration_bounds = array<i64: 2, 16>, scalar_prefetch = 0 : i64, scratch_operands = 27 : i64, tpu.core_type = #tpu.core_type<sc_vector_subcore>, window_params = [{transform_indices = #map}, {transform_indices = #map1}, {transform_indices = #map}]} {
    %mul3A = arith.constant 2 : i32
    %mul3A_0 = arith.muli %arg1, %mul3A : i32
    %add3A = arith.addi %mul3A_0, %arg0 : i32
    %mul3A_1 = arith.constant 256 : i32
    %mul3A_2 = arith.muli %add3A, %mul3A_1 : i32
    %add3A_3 = arith.constant 0 : i32
    %add3A_4 = arith.addi %mul3A_2, %add3A_3 : i32
    %dma_start3A = arith.constant 0 : i32
    %dma_start3A_5 = tpu.memref_slice %arg3[%add3A_4, %dma_start3A] : memref<8192x1024xf32, #tpu.memory_space<hbm>> -> memref<8x1024xf32, #tpu.memory_space<hbm>>
    %dma_start3A_6 = arith.constant 0 : i32
    %dma_start3A_7 = tpu.memref_slice %arg3[%add3A_4, %dma_start3A_6] : memref<8192x1024xf32, #tpu.memory_space<hbm>> -> memref<8x1024xf32, #tpu.memory_space<hbm>>
    tpu.enqueue_dma source(%dma_start3A_7 : memref<8x1024xf32, #tpu.memory_space<hbm>>) target(%arg5 : memref<8x1024xf32, #tpu.memory_space<vmem>>) target_semaphore(%arg15 : memref<!tpu.dma_semaphore, #tpu.memory_space<semaphore_mem>>)
    %add3A_8 = arith.constant 0 : i32
    %add3A_9 = arith.addi %mul3A_2, %add3A_8 : i32
    %dma_start3A_10 = arith.constant 0 : i32
    %dma_start3A_11 = arith.constant 0 : i32
    %dma_start3A_12 = tpu.memref_slice %arg2[%dma_start3A_10, %add3A_9, %dma_start3A_11] : memref<4x8192x1024xf32, #tpu.memory_space<hbm>> -> memref<1x8x1024xf32, #tpu.memory_space<hbm>>
    %dma_start3A_13 = tpu.memref_squeeze %dma_start3A_12 : memref<1x8x1024xf32, #tpu.memory_space<hbm>> -> memref<8x1024xf32, #tpu.memory_space<hbm>>
    %dma_start3A_14 = arith.constant 0 : i32
    %dma_start3A_15 = tpu.memref_slice %arg2[%dma_start3A_10, %add3A_9, %dma_start3A_14] : memref<4x8192x1024xf32, #tpu.memory_space<hbm>> -> memref<1x8x1024xf32, #tpu.memory_space<hbm>>
    %dma_start3A_16 = tpu.memref_squeeze %dma_start3A_15 : memref<1x8x1024xf32, #tpu.memory_space<hbm>> -> memref<8x1024xf32, #tpu.memory_space<hbm>>
    tpu.enqueue_dma source(%dma_start3A_16 : memref<8x1024xf32, #tpu.memory_space<hbm>>) target(%arg7 : memref<8x1024xf32, #tpu.memory_space<vmem>>) target_semaphore(%arg16 : memref<!tpu.dma_semaphore, #tpu.memory_space<semaphore_mem>>)
    %add3A_17 = arith.constant 0 : i32
    %add3A_18 = arith.addi %mul3A_2, %add3A_17 : i32
    %dma_start3A_19 = arith.constant 1 : i32
    %dma_start3A_20 = arith.constant 0 : i32
    %dma_start3A_21 = tpu.memref_slice %arg2[%dma_start3A_19, %add3A_18, %dma_start3A_20] : memref<4x8192x1024xf32, #tpu.memory_space<hbm>> -> memref<1x8x1024xf32, #tpu.memory_space<hbm>>
    %dma_start3A_22 = tpu.memref_squeeze %dma_start3A_21 : memref<1x8x1024xf32, #tpu.memory_space<hbm>> -> memref<8x1024xf32, #tpu.memory_space<hbm>>
    %dma_start3A_23 = arith.constant 0 : i32
    %dma_start3A_24 = tpu.memref_slice %arg2[%dma_start3A_19, %add3A_18, %dma_start3A_23] : memref<4x8192x1024xf32, #tpu.memory_space<hbm>> -> memref<1x8x1024xf32, #tpu.memory_space<hbm>>
    %dma_start3A_25 = tpu.memref_squeeze %dma_start3A_24 : memref<1x8x1024xf32, #tpu.memory_space<hbm>> -> memref<8x1024xf32, #tpu.memory_space<hbm>>
    tpu.enqueue_dma source(%dma_start3A_25 : memref<8x1024xf32, #tpu.memory_space<hbm>>) target(%arg8 : memref<8x1024xf32, #tpu.memory_space<vmem>>) target_semaphore(%arg17 : memref<!tpu.dma_semaphore, #tpu.memory_space<semaphore_mem>>)
    %add3A_26 = arith.constant 0 : i32
    %add3A_27 = arith.addi %mul3A_2, %add3A_26 : i32
    %dma_start3A_28 = arith.constant 2 : i32
    %dma_start3A_29 = arith.constant 0 : i32
    %dma_start3A_30 = tpu.memref_slice %arg2[%dma_start3A_28, %add3A_27, %dma_start3A_29] : memref<4x8192x1024xf32, #tpu.memory_space<hbm>> -> memref<1x8x1024xf32, #tpu.memory_space<hbm>>
    %dma_start3A_31 = tpu.memref_squeeze %dma_start3A_30 : memref<1x8x1024xf32, #tpu.memory_space<hbm>> -> memref<8x1024xf32, #tpu.memory_space<hbm>>
    %dma_start3A_32 = arith.constant 0 : i32
    %dma_start3A_33 = tpu.memref_slice %arg2[%dma_start3A_28, %add3A_27, %dma_start3A_32] : memref<4x8192x1024xf32, #tpu.memory_space<hbm>> -> memref<1x8x1024xf32, #tpu.memory_space<hbm>>
    %dma_start3A_34 = tpu.memref_squeeze %dma_start3A_33 : memref<1x8x1024xf32, #tpu.memory_space<hbm>> -> memref<8x1024xf32, #tpu.memory_space<hbm>>
    tpu.enqueue_dma source(%dma_start3A_34 : memref<8x1024xf32, #tpu.memory_space<hbm>>) target(%arg9 : memref<8x1024xf32, #tpu.memory_space<vmem>>) target_semaphore(%arg18 : memref<!tpu.dma_semaphore, #tpu.memory_space<semaphore_mem>>)
    %add3A_35 = arith.constant 0 : i32
    %add3A_36 = arith.addi %mul3A_2, %add3A_35 : i32
    %dma_start3A_37 = arith.constant 3 : i32
    %dma_start3A_38 = arith.constant 0 : i32
    %dma_start3A_39 = tpu.memref_slice %arg2[%dma_start3A_37, %add3A_36, %dma_start3A_38] : memref<4x8192x1024xf32, #tpu.memory_space<hbm>> -> memref<1x8x1024xf32, #tpu.memory_space<hbm>>
    %dma_start3A_40 = tpu.memref_squeeze %dma_start3A_39 : memref<1x8x1024xf32, #tpu.memory_space<hbm>> -> memref<8x1024xf32, #tpu.memory_space<hbm>>
    %dma_start3A_41 = arith.constant 0 : i32
    %dma_start3A_42 = tpu.memref_slice %arg2[%dma_start3A_37, %add3A_36, %dma_start3A_41] : memref<4x8192x1024xf32, #tpu.memory_space<hbm>> -> memref<1x8x1024xf32, #tpu.memory_space<hbm>>
    %dma_start3A_43 = tpu.memref_squeeze %dma_start3A_42 : memref<1x8x1024xf32, #tpu.memory_space<hbm>> -> memref<8x1024xf32, #tpu.memory_space<hbm>>
    tpu.enqueue_dma source(%dma_start3A_43 : memref<8x1024xf32, #tpu.memory_space<hbm>>) target(%arg10 : memref<8x1024xf32, #tpu.memory_space<vmem>>) target_semaphore(%arg19 : memref<!tpu.dma_semaphore, #tpu.memory_space<semaphore_mem>>)
    %scan3A = arith.constant 0 : i32
    %scan3A_44 = arith.constant 0 : i32
    %scan3A_45 = arith.constant 16 : i32
    %scan3A_46 = arith.addi %scan3A_44, %scan3A_45 : i32
    %scan3A_47 = arith.constant 1 : i32
    scf.for %scan3A_84 = %scan3A_44 to %scan3A_46 step %scan3A_47  : i32 {
      %mul3A_85 = arith.constant 2 : i32
      %mul3A_86 = arith.muli %mul3A_85, %scan3A_84 : i32
      %eq3A = arith.constant 0 : i32
      %eq3A_87 = arith.cmpi eq, %scan3A_84, %eq3A : i32
      %mul3A_88 = arith.constant 8 : i32
      %mul3A_89 = arith.muli %mul3A_86, %mul3A_88 : i32
      %add3A_90 = arith.addi %mul3A_2, %mul3A_89 : i32
      %dma_wait3A_91 = arith.constant 0 : i32
      %dma_wait3A_92 = tpu.memref_slice %arg3[%add3A_90, %dma_wait3A_91] : memref<8192x1024xf32, #tpu.memory_space<hbm>> -> memref<8x1024xf32, #tpu.memory_space<hbm>>
      %dma_wait3A_93 = arith.constant 0 : i32
      %dma_wait3A_94 = tpu.memref_slice %arg3[%add3A_90, %dma_wait3A_93] : memref<8192x1024xf32, #tpu.memory_space<hbm>> -> memref<8x1024xf32, #tpu.memory_space<hbm>>
      tpu.wait_dma2 semaphore(%arg15 : memref<!tpu.dma_semaphore, #tpu.memory_space<semaphore_mem>>) src(%dma_wait3A_94 : memref<8x1024xf32, #tpu.memory_space<hbm>>) dst(%arg5 : memref<8x1024xf32, #tpu.memory_space<vmem>>)
      %add3A_95 = arith.constant 1 : i32
      %add3A_96 = arith.addi %mul3A_86, %add3A_95 : i32
      %mul3A_97 = arith.constant 8 : i32
      %mul3A_98 = arith.muli %add3A_96, %mul3A_97 : i32
      %add3A_99 = arith.addi %mul3A_2, %mul3A_98 : i32
      %dma_start3A_100 = arith.constant 0 : i32
      %dma_start3A_101 = tpu.memref_slice %arg3[%add3A_99, %dma_start3A_100] : memref<8192x1024xf32, #tpu.memory_space<hbm>> -> memref<8x1024xf32, #tpu.memory_space<hbm>>
      %dma_start3A_102 = arith.constant 0 : i32
      %dma_start3A_103 = tpu.memref_slice %arg3[%add3A_99, %dma_start3A_102] : memref<8192x1024xf32, #tpu.memory_space<hbm>> -> memref<8x1024xf32, #tpu.memory_space<hbm>>
      tpu.enqueue_dma source(%dma_start3A_103 : memref<8x1024xf32, #tpu.memory_space<hbm>>) target(%arg6 : memref<8x1024xf32, #tpu.memory_space<vmem>>) target_semaphore(%arg15 : memref<!tpu.dma_semaphore, #tpu.memory_space<semaphore_mem>>)
      %mul3A_104 = arith.constant 8 : i32
      %mul3A_105 = arith.muli %mul3A_86, %mul3A_104 : i32
      %add3A_106 = arith.addi %mul3A_2, %mul3A_105 : i32
      %dma_wait3A_107 = arith.constant 0 : i32
      %dma_wait3A_108 = arith.constant 0 : i32
      %dma_wait3A_109 = tpu.memref_slice %arg2[%dma_wait3A_107, %add3A_106, %dma_wait3A_108] : memref<4x8192x1024xf32, #tpu.memory_space<hbm>> -> memref<1x8x1024xf32, #tpu.memory_space<hbm>>
      %dma_wait3A_110 = tpu.memref_squeeze %dma_wait3A_109 : memref<1x8x1024xf32, #tpu.memory_space<hbm>> -> memref<8x1024xf32, #tpu.memory_space<hbm>>
      %dma_wait3A_111 = arith.constant 0 : i32
      %dma_wait3A_112 = tpu.memref_slice %arg2[%dma_wait3A_107, %add3A_106, %dma_wait3A_111] : memref<4x8192x1024xf32, #tpu.memory_space<hbm>> -> memref<1x8x1024xf32, #tpu.memory_space<hbm>>
      %dma_wait3A_113 = tpu.memref_squeeze %dma_wait3A_112 : memref<1x8x1024xf32, #tpu.memory_space<hbm>> -> memref<8x1024xf32, #tpu.memory_space<hbm>>
      tpu.wait_dma2 semaphore(%arg16 : memref<!tpu.dma_semaphore, #tpu.memory_space<semaphore_mem>>) src(%dma_wait3A_113 : memref<8x1024xf32, #tpu.memory_space<hbm>>) dst(%arg7 : memref<8x1024xf32, #tpu.memory_space<vmem>>)
      %not3A = arith.constant true
      %not3A_114 = arith.xori %eq3A_87, %not3A : i1
      %convert_element_type3A = arith.extui %not3A_114 : i1 to i32
      %cond3A = arith.constant 0 : i32
      %cond3A_115 = arith.cmpi ne, %convert_element_type3A, %cond3A : i32
      scf.if %cond3A_115 {
        %dma_wait3A_449 = arith.constant 0 : i32
        %dma_wait3A_450 = arith.constant 0 : i32
        %dma_wait3A_451 = arith.constant 0 : i32
        %dma_wait3A_452 = tpu.memref_slice %arg4[%dma_wait3A_449, %dma_wait3A_450, %dma_wait3A_451] : memref<4x8192x1024xf32, #tpu.memory_space<hbm>> -> memref<1x8x1024xf32, #tpu.memory_space<hbm>>
        %dma_wait3A_453 = tpu.memref_squeeze %dma_wait3A_452 : memref<1x8x1024xf32, #tpu.memory_space<hbm>> -> memref<8x1024xf32, #tpu.memory_space<hbm>>
        %dma_wait3A_454 = arith.constant 0 : i32
        %dma_wait3A_455 = arith.constant 0 : i32
        %dma_wait3A_456 = tpu.memref_slice %arg4[%dma_wait3A_449, %dma_wait3A_454, %dma_wait3A_455] : memref<4x8192x1024xf32, #tpu.memory_space<hbm>> -> memref<1x8x1024xf32, #tpu.memory_space<hbm>>
        %dma_wait3A_457 = tpu.memref_squeeze %dma_wait3A_456 : memref<1x8x1024xf32, #tpu.memory_space<hbm>> -> memref<8x1024xf32, #tpu.memory_space<hbm>>
        tpu.wait_dma2 semaphore(%arg28 : memref<!tpu.dma_semaphore, #tpu.memory_space<semaphore_mem>>) src(%arg11 : memref<8x1024xf32, #tpu.memory_space<vmem>>) dst(%dma_wait3A_457 : memref<8x1024xf32, #tpu.memory_space<hbm>>)
      } else {
      }
      %add3A_116 = arith.constant 1 : i32
      %add3A_117 = arith.addi %mul3A_86, %add3A_116 : i32
      %mul3A_118 = arith.constant 8 : i32
      %mul3A_119 = arith.muli %add3A_117, %mul3A_118 : i32
      %add3A_120 = arith.addi %mul3A_2, %mul3A_119 : i32
      %dma_start3A_121 = arith.constant 0 : i32
      %dma_start3A_122 = arith.constant 0 : i32
      %dma_start3A_123 = tpu.memref_slice %arg2[%dma_start3A_121, %add3A_120, %dma_start3A_122] : memref<4x8192x1024xf32, #tpu.memory_space<hbm>> -> memref<1x8x1024xf32, #tpu.memory_space<hbm>>
      %dma_start3A_124 = tpu.memref_squeeze %dma_start3A_123 : memref<1x8x1024xf32, #tpu.memory_space<hbm>> -> memref<8x1024xf32, #tpu.memory_space<hbm>>
      %dma_start3A_125 = arith.constant 0 : i32
      %dma_start3A_126 = tpu.memref_slice %arg2[%dma_start3A_121, %add3A_120, %dma_start3A_125] : memref<4x8192x1024xf32, #tpu.memory_space<hbm>> -> memref<1x8x1024xf32, #tpu.memory_space<hbm>>
      %dma_start3A_127 = tpu.memref_squeeze %dma_start3A_126 : memref<1x8x1024xf32, #tpu.memory_space<hbm>> -> memref<8x1024xf32, #tpu.memory_space<hbm>>
      tpu.enqueue_dma source(%dma_start3A_127 : memref<8x1024xf32, #tpu.memory_space<hbm>>) target(%arg11 : memref<8x1024xf32, #tpu.memory_space<vmem>>) target_semaphore(%arg20 : memref<!tpu.dma_semaphore, #tpu.memory_space<semaphore_mem>>)
      %scan3A_128 = arith.constant 0 : i32
      %scan3A_129 = arith.constant 0 : i32
      %scan3A_130 = arith.constant 8 : i32
      %scan3A_131 = arith.addi %scan3A_129, %scan3A_130 : i32
      %scan3A_132 = arith.constant 1 : i32
      scf.for %scan3A_449 = %scan3A_129 to %scan3A_131 step %scan3A_132  : i32 {
        %parallel_loop3A = arith.constant 0 : i32
        %parallel_loop3A_450 = arith.constant 64 : i32
        %parallel_loop3A_451 = arith.constant 1 : i32
        scf.for %parallel_loop3A_452 = %parallel_loop3A to %parallel_loop3A_450 step %parallel_loop3A_451  : i32 {
          %parallel_loop3A_453 = arith.constant 16 : i32
          %parallel_loop3A_454 = arith.muli %parallel_loop3A_452, %parallel_loop3A_453 : i32
          %parallel_loop3A_455 = arith.index_cast %scan3A_449 : i32 to index
          %parallel_loop3A_456 = arith.index_cast %parallel_loop3A_454 : i32 to index
          %parallel_loop3A_457 = tpu.vector_load %arg5[%parallel_loop3A_455, %parallel_loop3A_456] {strides = array<i32>} : memref<8x1024xf32, #tpu.memory_space<vmem>>, vector<1x16xf32>,
          %parallel_loop3A_458 = vector.shape_cast %parallel_loop3A_457 : vector<1x16xf32> to vector<16xf32>
          %parallel_loop3A_459 = arith.index_cast %scan3A_449 : i32 to index
          %parallel_loop3A_460 = arith.index_cast %parallel_loop3A_454 : i32 to index
          %parallel_loop3A_461 = tpu.vector_load %arg7[%parallel_loop3A_459, %parallel_loop3A_460] {strides = array<i32>} : memref<8x1024xf32, #tpu.memory_space<vmem>>, vector<1x16xf32>,
          %parallel_loop3A_462 = vector.shape_cast %parallel_loop3A_461 : vector<1x16xf32> to vector<16xf32>
          %parallel_loop3A_463 = vector.shape_cast %parallel_loop3A_458 : vector<16xf32> to vector<1x16xf32>
          tpu.vector_store %arg7[%parallel_loop3A_459, %parallel_loop3A_460], %parallel_loop3A_463 {add = true, strides = array<i32>} : memref<8x1024xf32, #tpu.memory_space<vmem>>, vector<1x16xf32>,
        } {sc.loop_unroll_factor = 8 : i64, sc.parallel_access}
      }
      %scan3A_133 = arith.constant 8 : i32
      %mul3A_134 = arith.constant 8 : i32
      %mul3A_135 = arith.muli %mul3A_86, %mul3A_134 : i32
      %add3A_136 = arith.addi %mul3A_2, %mul3A_135 : i32
      %dma_start3A_137 = arith.constant 0 : i32
      %dma_start3A_138 = arith.constant 0 : i32
      %dma_start3A_139 = tpu.memref_slice %arg4[%dma_start3A_137, %add3A_136, %dma_start3A_138] : memref<4x8192x1024xf32, #tpu.memory_space<hbm>> -> memref<1x8x1024xf32, #tpu.memory_space<hbm>>
      %dma_start3A_140 = tpu.memref_squeeze %dma_start3A_139 : memref<1x8x1024xf32, #tpu.memory_space<hbm>> -> memref<8x1024xf32, #tpu.memory_space<hbm>>
      %dma_start3A_141 = arith.constant 0 : i32
      %dma_start3A_142 = tpu.memref_slice %arg4[%dma_start3A_137, %add3A_136, %dma_start3A_141] : memref<4x8192x1024xf32, #tpu.memory_space<hbm>> -> memref<1x8x1024xf32, #tpu.memory_space<hbm>>
      %dma_start3A_143 = tpu.memref_squeeze %dma_start3A_142 : memref<1x8x1024xf32, #tpu.memory_space<hbm>> -> memref<8x1024xf32, #tpu.memory_space<hbm>>
      tpu.enqueue_dma source(%arg7 : memref<8x1024xf32, #tpu.memory_space<vmem>>) target(%dma_start3A_143 : memref<8x1024xf32, #tpu.memory_space<hbm>>) target_semaphore(%arg24 : memref<!tpu.dma_semaphore, #tpu.memory_space<semaphore_mem>>)
      %mul3A_144 = arith.constant 8 : i32
      %mul3A_145 = arith.muli %mul3A_86, %mul3A_144 : i32
      %add3A_146 = arith.addi %mul3A_2, %mul3A_145 : i32
      %dma_wait3A_147 = arith.constant 1 : i32
      %dma_wait3A_148 = arith.constant 0 : i32
      %dma_wait3A_149 = tpu.memref_slice %arg2[%dma_wait3A_147, %add3A_146, %dma_wait3A_148] : memref<4x8192x1024xf32, #tpu.memory_space<hbm>> -> memref<1x8x1024xf32, #tpu.memory_space<hbm>>
      %dma_wait3A_150 = tpu.memref_squeeze %dma_wait3A_149 : memref<1x8x1024xf32, #tpu.memory_space<hbm>> -> memref<8x1024xf32, #tpu.memory_space<hbm>>
      %dma_wait3A_151 = arith.constant 0 : i32
      %dma_wait3A_152 = tpu.memref_slice %arg2[%dma_wait3A_147, %add3A_146, %dma_wait3A_151] : memref<4x8192x1024xf32, #tpu.memory_space<hbm>> -> memref<1x8x1024xf32, #tpu.memory_space<hbm>>
      %dma_wait3A_153 = tpu.memref_squeeze %dma_wait3A_152 : memref<1x8x1024xf32, #tpu.memory_space<hbm>> -> memref<8x1024xf32, #tpu.memory_space<hbm>>
      tpu.wait_dma2 semaphore(%arg17 : memref<!tpu.dma_semaphore, #tpu.memory_space<semaphore_mem>>) src(%dma_wait3A_153 : memref<8x1024xf32, #tpu.memory_space<hbm>>) dst(%arg8 : memref<8x1024xf32, #tpu.memory_space<vmem>>)
      %not3A_154 = arith.constant true
      %not3A_155 = arith.xori %eq3A_87, %not3A_154 : i1
      %convert_element_type3A_156 = arith.extui %not3A_155 : i1 to i32
      %cond3A_157 = arith.constant 0 : i32
      %cond3A_158 = arith.cmpi ne, %convert_element_type3A_156, %cond3A_157 : i32
      scf.if %cond3A_158 {
        %dma_wait3A_449 = arith.constant 0 : i32
        %dma_wait3A_450 = arith.constant 0 : i32
        %dma_wait3A_451 = arith.constant 0 : i32
        %dma_wait3A_452 = tpu.memref_slice %arg4[%dma_wait3A_449, %dma_wait3A_450, %dma_wait3A_451] : memref<4x8192x1024xf32, #tpu.memory_space<hbm>> -> memref<1x8x1024xf32, #tpu.memory_space<hbm>>
        %dma_wait3A_453 = tpu.memref_squeeze %dma_wait3A_452 : memref<1x8x1024xf32, #tpu.memory_space<hbm>> -> memref<8x1024xf32, #tpu.memory_space<hbm>>
        %dma_wait3A_454 = arith.constant 0 : i32
        %dma_wait3A_455 = arith.constant 0 : i32
        %dma_wait3A_456 = tpu.memref_slice %arg4[%dma_wait3A_449, %dma_wait3A_454, %dma_wait3A_455] : memref<4x8192x1024xf32, #tpu.memory_space<hbm>> -> memref<1x8x1024xf32, #tpu.memory_space<hbm>>
        %dma_wait3A_457 = tpu.memref_squeeze %dma_wait3A_456 : memref<1x8x1024xf32, #tpu.memory_space<hbm>> -> memref<8x1024xf32, #tpu.memory_space<hbm>>
        tpu.wait_dma2 semaphore(%arg29 : memref<!tpu.dma_semaphore, #tpu.memory_space<semaphore_mem>>) src(%arg12 : memref<8x1024xf32, #tpu.memory_space<vmem>>) dst(%dma_wait3A_457 : memref<8x1024xf32, #tpu.memory_space<hbm>>)
      } else {
      }
      %add3A_159 = arith.constant 1 : i32
      %add3A_160 = arith.addi %mul3A_86, %add3A_159 : i32
      %mul3A_161 = arith.constant 8 : i32
      %mul3A_162 = arith.muli %add3A_160, %mul3A_161 : i32
      %add3A_163 = arith.addi %mul3A_2, %mul3A_162 : i32
      %dma_start3A_164 = arith.constant 1 : i32
      %dma_start3A_165 = arith.constant 0 : i32
      %dma_start3A_166 = tpu.memref_slice %arg2[%dma_start3A_164, %add3A_163, %dma_start3A_165] : memref<4x8192x1024xf32, #tpu.memory_space<hbm>> -> memref<1x8x1024xf32, #tpu.memory_space<hbm>>
      %dma_start3A_167 = tpu.memref_squeeze %dma_start3A_166 : memref<1x8x1024xf32, #tpu.memory_space<hbm>> -> memref<8x1024xf32, #tpu.memory_space<hbm>>
      %dma_start3A_168 = arith.constant 0 : i32
      %dma_start3A_169 = tpu.memref_slice %arg2[%dma_start3A_164, %add3A_163, %dma_start3A_168] : memref<4x8192x1024xf32, #tpu.memory_space<hbm>> -> memref<1x8x1024xf32, #tpu.memory_space<hbm>>
      %dma_start3A_170 = tpu.memref_squeeze %dma_start3A_169 : memref<1x8x1024xf32, #tpu.memory_space<hbm>> -> memref<8x1024xf32, #tpu.memory_space<hbm>>
      tpu.enqueue_dma source(%dma_start3A_170 : memref<8x1024xf32, #tpu.memory_space<hbm>>) target(%arg12 : memref<8x1024xf32, #tpu.memory_space<vmem>>) target_semaphore(%arg21 : memref<!tpu.dma_semaphore, #tpu.memory_space<semaphore_mem>>)
      %scan3A_171 = arith.constant 0 : i32
      %scan3A_172 = arith.constant 0 : i32
      %scan3A_173 = arith.constant 8 : i32
      %scan3A_174 = arith.addi %scan3A_172, %scan3A_173 : i32
      %scan3A_175 = arith.constant 1 : i32
      scf.for %scan3A_449 = %scan3A_172 to %scan3A_174 step %scan3A_175  : i32 {
        %parallel_loop3A = arith.constant 0 : i32
        %parallel_loop3A_450 = arith.constant 64 : i32
        %parallel_loop3A_451 = arith.constant 1 : i32
        scf.for %parallel_loop3A_452 = %parallel_loop3A to %parallel_loop3A_450 step %parallel_loop3A_451  : i32 {
          %parallel_loop3A_453 = arith.constant 16 : i32
          %parallel_loop3A_454 = arith.muli %parallel_loop3A_452, %parallel_loop3A_453 : i32
          %parallel_loop3A_455 = arith.index_cast %scan3A_449 : i32 to index
          %parallel_loop3A_456 = arith.index_cast %parallel_loop3A_454 : i32 to index
          %parallel_loop3A_457 = tpu.vector_load %arg5[%parallel_loop3A_455, %parallel_loop3A_456] {strides = array<i32>} : memref<8x1024xf32, #tpu.memory_space<vmem>>, vector<1x16xf32>,
          %parallel_loop3A_458 = vector.shape_cast %parallel_loop3A_457 : vector<1x16xf32> to vector<16xf32>
          %parallel_loop3A_459 = arith.index_cast %scan3A_449 : i32 to index
          %parallel_loop3A_460 = arith.index_cast %parallel_loop3A_454 : i32 to index
          %parallel_loop3A_461 = tpu.vector_load %arg8[%parallel_loop3A_459, %parallel_loop3A_460] {strides = array<i32>} : memref<8x1024xf32, #tpu.memory_space<vmem>>, vector<1x16xf32>,
          %parallel_loop3A_462 = vector.shape_cast %parallel_loop3A_461 : vector<1x16xf32> to vector<16xf32>
          %parallel_loop3A_463 = vector.shape_cast %parallel_loop3A_458 : vector<16xf32> to vector<1x16xf32>
          tpu.vector_store %arg8[%parallel_loop3A_459, %parallel_loop3A_460], %parallel_loop3A_463 {add = true, strides = array<i32>} : memref<8x1024xf32, #tpu.memory_space<vmem>>, vector<1x16xf32>,
        } {sc.loop_unroll_factor = 8 : i64, sc.parallel_access}
      }
      %scan3A_176 = arith.constant 8 : i32
      %mul3A_177 = arith.constant 8 : i32
      %mul3A_178 = arith.muli %mul3A_86, %mul3A_177 : i32
      %add3A_179 = arith.addi %mul3A_2, %mul3A_178 : i32
      %dma_start3A_180 = arith.constant 1 : i32
      %dma_start3A_181 = arith.constant 0 : i32
      %dma_start3A_182 = tpu.memref_slice %arg4[%dma_start3A_180, %add3A_179, %dma_start3A_181] : memref<4x8192x1024xf32, #tpu.memory_space<hbm>> -> memref<1x8x1024xf32, #tpu.memory_space<hbm>>
      %dma_start3A_183 = tpu.memref_squeeze %dma_start3A_182 : memref<1x8x1024xf32, #tpu.memory_space<hbm>> -> memref<8x1024xf32, #tpu.memory_space<hbm>>
      %dma_start3A_184 = arith.constant 0 : i32
      %dma_start3A_185 = tpu.memref_slice %arg4[%dma_start3A_180, %add3A_179, %dma_start3A_184] : memref<4x8192x1024xf32, #tpu.memory_space<hbm>> -> memref<1x8x1024xf32, #tpu.memory_space<hbm>>
      %dma_start3A_186 = tpu.memref_squeeze %dma_start3A_185 : memref<1x8x1024xf32, #tpu.memory_space<hbm>> -> memref<8x1024xf32, #tpu.memory_space<hbm>>
      tpu.enqueue_dma source(%arg8 : memref<8x1024xf32, #tpu.memory_space<vmem>>) target(%dma_start3A_186 : memref<8x1024xf32, #tpu.memory_space<hbm>>) target_semaphore(%arg25 : memref<!tpu.dma_semaphore, #tpu.memory_space<semaphore_mem>>)
      %mul3A_187 = arith.constant 8 : i32
      %mul3A_188 = arith.muli %mul3A_86, %mul3A_187 : i32
      %add3A_189 = arith.addi %mul3A_2, %mul3A_188 : i32
      %dma_wait3A_190 = arith.constant 2 : i32
      %dma_wait3A_191 = arith.constant 0 : i32
      %dma_wait3A_192 = tpu.memref_slice %arg2[%dma_wait3A_190, %add3A_189, %dma_wait3A_191] : memref<4x8192x1024xf32, #tpu.memory_space<hbm>> -> memref<1x8x1024xf32, #tpu.memory_space<hbm>>
      %dma_wait3A_193 = tpu.memref_squeeze %dma_wait3A_192 : memref<1x8x1024xf32, #tpu.memory_space<hbm>> -> memref<8x1024xf32, #tpu.memory_space<hbm>>
      %dma_wait3A_194 = arith.constant 0 : i32
      %dma_wait3A_195 = tpu.memref_slice %arg2[%dma_wait3A_190, %add3A_189, %dma_wait3A_194] : memref<4x8192x1024xf32, #tpu.memory_space<hbm>> -> memref<1x8x1024xf32, #tpu.memory_space<hbm>>
      %dma_wait3A_196 = tpu.memref_squeeze %dma_wait3A_195 : memref<1x8x1024xf32, #tpu.memory_space<hbm>> -> memref<8x1024xf32, #tpu.memory_space<hbm>>
      tpu.wait_dma2 semaphore(%arg18 : memref<!tpu.dma_semaphore, #tpu.memory_space<semaphore_mem>>) src(%dma_wait3A_196 : memref<8x1024xf32, #tpu.memory_space<hbm>>) dst(%arg9 : memref<8x1024xf32, #tpu.memory_space<vmem>>)
      %not3A_197 = arith.constant true
      %not3A_198 = arith.xori %eq3A_87, %not3A_197 : i1
      %convert_element_type3A_199 = arith.extui %not3A_198 : i1 to i32
      %cond3A_200 = arith.constant 0 : i32
      %cond3A_201 = arith.cmpi ne, %convert_element_type3A_199, %cond3A_200 : i32
      scf.if %cond3A_201 {
        %dma_wait3A_449 = arith.constant 0 : i32
        %dma_wait3A_450 = arith.constant 0 : i32
        %dma_wait3A_451 = arith.constant 0 : i32
        %dma_wait3A_452 = tpu.memref_slice %arg4[%dma_wait3A_449, %dma_wait3A_450, %dma_wait3A_451] : memref<4x8192x1024xf32, #tpu.memory_space<hbm>> -> memref<1x8x1024xf32, #tpu.memory_space<hbm>>
        %dma_wait3A_453 = tpu.memref_squeeze %dma_wait3A_452 : memref<1x8x1024xf32, #tpu.memory_space<hbm>> -> memref<8x1024xf32, #tpu.memory_space<hbm>>
        %dma_wait3A_454 = arith.constant 0 : i32
        %dma_wait3A_455 = arith.constant 0 : i32
        %dma_wait3A_456 = tpu.memref_slice %arg4[%dma_wait3A_449, %dma_wait3A_454, %dma_wait3A_455] : memref<4x8192x1024xf32, #tpu.memory_space<hbm>> -> memref<1x8x1024xf32, #tpu.memory_space<hbm>>
        %dma_wait3A_457 = tpu.memref_squeeze %dma_wait3A_456 : memref<1x8x1024xf32, #tpu.memory_space<hbm>> -> memref<8x1024xf32, #tpu.memory_space<hbm>>
        tpu.wait_dma2 semaphore(%arg30 : memref<!tpu.dma_semaphore, #tpu.memory_space<semaphore_mem>>) src(%arg13 : memref<8x1024xf32, #tpu.memory_space<vmem>>) dst(%dma_wait3A_457 : memref<8x1024xf32, #tpu.memory_space<hbm>>)
      } else {
      }
      %add3A_202 = arith.constant 1 : i32
      %add3A_203 = arith.addi %mul3A_86, %add3A_202 : i32
      %mul3A_204 = arith.constant 8 : i32
      %mul3A_205 = arith.muli %add3A_203, %mul3A_204 : i32
      %add3A_206 = arith.addi %mul3A_2, %mul3A_205 : i32
      %dma_start3A_207 = arith.constant 2 : i32
      %dma_start3A_208 = arith.constant 0 : i32
      %dma_start3A_209 = tpu.memref_slice %arg2[%dma_start3A_207, %add3A_206, %dma_start3A_208] : memref<4x8192x1024xf32, #tpu.memory_space<hbm>> -> memref<1x8x1024xf32, #tpu.memory_space<hbm>>
      %dma_start3A_210 = tpu.memref_squeeze %dma_start3A_209 : memref<1x8x1024xf32, #tpu.memory_space<hbm>> -> memref<8x1024xf32, #tpu.memory_space<hbm>>
      %dma_start3A_211 = arith.constant 0 : i32
      %dma_start3A_212 = tpu.memref_slice %arg2[%dma_start3A_207, %add3A_206, %dma_start3A_211] : memref<4x8192x1024xf32, #tpu.memory_space<hbm>> -> memref<1x8x1024xf32, #tpu.memory_space<hbm>>
      %dma_start3A_213 = tpu.memref_squeeze %dma_start3A_212 : memref<1x8x1024xf32, #tpu.memory_space<hbm>> -> memref<8x1024xf32, #tpu.memory_space<hbm>>
      tpu.enqueue_dma source(%dma_start3A_213 : memref<8x1024xf32, #tpu.memory_space<hbm>>) target(%arg13 : memref<8x1024xf32, #tpu.memory_space<vmem>>) target_semaphore(%arg22 : memref<!tpu.dma_semaphore, #tpu.memory_space<semaphore_mem>>)
      %scan3A_214 = arith.constant 0 : i32
      %scan3A_215 = arith.constant 0 : i32
      %scan3A_216 = arith.constant 8 : i32
      %scan3A_217 = arith.addi %scan3A_215, %scan3A_216 : i32
      %scan3A_218 = arith.constant 1 : i32
      scf.for %scan3A_449 = %scan3A_215 to %scan3A_217 step %scan3A_218  : i32 {
        %parallel_loop3A = arith.constant 0 : i32
        %parallel_loop3A_450 = arith.constant 64 : i32
        %parallel_loop3A_451 = arith.constant 1 : i32
        scf.for %parallel_loop3A_452 = %parallel_loop3A to %parallel_loop3A_450 step %parallel_loop3A_451  : i32 {
          %parallel_loop3A_453 = arith.constant 16 : i32
          %parallel_loop3A_454 = arith.muli %parallel_loop3A_452, %parallel_loop3A_453 : i32
          %parallel_loop3A_455 = arith.index_cast %scan3A_449 : i32 to index
          %parallel_loop3A_456 = arith.index_cast %parallel_loop3A_454 : i32 to index
          %parallel_loop3A_457 = tpu.vector_load %arg5[%parallel_loop3A_455, %parallel_loop3A_456] {strides = array<i32>} : memref<8x1024xf32, #tpu.memory_space<vmem>>, vector<1x16xf32>,
          %parallel_loop3A_458 = vector.shape_cast %parallel_loop3A_457 : vector<1x16xf32> to vector<16xf32>
          %parallel_loop3A_459 = arith.index_cast %scan3A_449 : i32 to index
          %parallel_loop3A_460 = arith.index_cast %parallel_loop3A_454 : i32 to index
          %parallel_loop3A_461 = tpu.vector_load %arg9[%parallel_loop3A_459, %parallel_loop3A_460] {strides = array<i32>} : memref<8x1024xf32, #tpu.memory_space<vmem>>, vector<1x16xf32>,
          %parallel_loop3A_462 = vector.shape_cast %parallel_loop3A_461 : vector<1x16xf32> to vector<16xf32>
          %parallel_loop3A_463 = vector.shape_cast %parallel_loop3A_458 : vector<16xf32> to vector<1x16xf32>
          tpu.vector_store %arg9[%parallel_loop3A_459, %parallel_loop3A_460], %parallel_loop3A_463 {add = true, strides = array<i32>} : memref<8x1024xf32, #tpu.memory_space<vmem>>, vector<1x16xf32>,
        } {sc.loop_unroll_factor = 8 : i64, sc.parallel_access}
      }
      %scan3A_219 = arith.constant 8 : i32
      %mul3A_220 = arith.constant 8 : i32
      %mul3A_221 = arith.muli %mul3A_86, %mul3A_220 : i32
      %add3A_222 = arith.addi %mul3A_2, %mul3A_221 : i32
      %dma_start3A_223 = arith.constant 2 : i32
      %dma_start3A_224 = arith.constant 0 : i32
      %dma_start3A_225 = tpu.memref_slice %arg4[%dma_start3A_223, %add3A_222, %dma_start3A_224] : memref<4x8192x1024xf32, #tpu.memory_space<hbm>> -> memref<1x8x1024xf32, #tpu.memory_space<hbm>>
      %dma_start3A_226 = tpu.memref_squeeze %dma_start3A_225 : memref<1x8x1024xf32, #tpu.memory_space<hbm>> -> memref<8x1024xf32, #tpu.memory_space<hbm>>
      %dma_start3A_227 = arith.constant 0 : i32
      %dma_start3A_228 = tpu.memref_slice %arg4[%dma_start3A_223, %add3A_222, %dma_start3A_227] : memref<4x8192x1024xf32, #tpu.memory_space<hbm>> -> memref<1x8x1024xf32, #tpu.memory_space<hbm>>
      %dma_start3A_229 = tpu.memref_squeeze %dma_start3A_228 : memref<1x8x1024xf32, #tpu.memory_space<hbm>> -> memref<8x1024xf32, #tpu.memory_space<hbm>>
      tpu.enqueue_dma source(%arg9 : memref<8x1024xf32, #tpu.memory_space<vmem>>) target(%dma_start3A_229 : memref<8x1024xf32, #tpu.memory_space<hbm>>) target_semaphore(%arg26 : memref<!tpu.dma_semaphore, #tpu.memory_space<semaphore_mem>>)
      %mul3A_230 = arith.constant 8 : i32
      %mul3A_231 = arith.muli %mul3A_86, %mul3A_230 : i32
      %add3A_232 = arith.addi %mul3A_2, %mul3A_231 : i32
      %dma_wait3A_233 = arith.constant 3 : i32
      %dma_wait3A_234 = arith.constant 0 : i32
      %dma_wait3A_235 = tpu.memref_slice %arg2[%dma_wait3A_233, %add3A_232, %dma_wait3A_234] : memref<4x8192x1024xf32, #tpu.memory_space<hbm>> -> memref<1x8x1024xf32, #tpu.memory_space<hbm>>
      %dma_wait3A_236 = tpu.memref_squeeze %dma_wait3A_235 : memref<1x8x1024xf32, #tpu.memory_space<hbm>> -> memref<8x1024xf32, #tpu.memory_space<hbm>>
      %dma_wait3A_237 = arith.constant 0 : i32
      %dma_wait3A_238 = tpu.memref_slice %arg2[%dma_wait3A_233, %add3A_232, %dma_wait3A_237] : memref<4x8192x1024xf32, #tpu.memory_space<hbm>> -> memref<1x8x1024xf32, #tpu.memory_space<hbm>>
      %dma_wait3A_239 = tpu.memref_squeeze %dma_wait3A_238 : memref<1x8x1024xf32, #tpu.memory_space<hbm>> -> memref<8x1024xf32, #tpu.memory_space<hbm>>
      tpu.wait_dma2 semaphore(%arg19 : memref<!tpu.dma_semaphore, #tpu.memory_space<semaphore_mem>>) src(%dma_wait3A_239 : memref<8x1024xf32, #tpu.memory_space<hbm>>) dst(%arg10 : memref<8x1024xf32, #tpu.memory_space<vmem>>)
      %not3A_240 = arith.constant true
      %not3A_241 = arith.xori %eq3A_87, %not3A_240 : i1
      %convert_element_type3A_242 = arith.extui %not3A_241 : i1 to i32
      %cond3A_243 = arith.constant 0 : i32
      %cond3A_244 = arith.cmpi ne, %convert_element_type3A_242, %cond3A_243 : i32
      scf.if %cond3A_244 {
        %dma_wait3A_449 = arith.constant 0 : i32
        %dma_wait3A_450 = arith.constant 0 : i32
        %dma_wait3A_451 = arith.constant 0 : i32
        %dma_wait3A_452 = tpu.memref_slice %arg4[%dma_wait3A_449, %dma_wait3A_450, %dma_wait3A_451] : memref<4x8192x1024xf32, #tpu.memory_space<hbm>> -> memref<1x8x1024xf32, #tpu.memory_space<hbm>>
        %dma_wait3A_453 = tpu.memref_squeeze %dma_wait3A_452 : memref<1x8x1024xf32, #tpu.memory_space<hbm>> -> memref<8x1024xf32, #tpu.memory_space<hbm>>
        %dma_wait3A_454 = arith.constant 0 : i32
        %dma_wait3A_455 = arith.constant 0 : i32
        %dma_wait3A_456 = tpu.memref_slice %arg4[%dma_wait3A_449, %dma_wait3A_454, %dma_wait3A_455] : memref<4x8192x1024xf32, #tpu.memory_space<hbm>> -> memref<1x8x1024xf32, #tpu.memory_space<hbm>>
        %dma_wait3A_457 = tpu.memref_squeeze %dma_wait3A_456 : memref<1x8x1024xf32, #tpu.memory_space<hbm>> -> memref<8x1024xf32, #tpu.memory_space<hbm>>
        tpu.wait_dma2 semaphore(%arg31 : memref<!tpu.dma_semaphore, #tpu.memory_space<semaphore_mem>>) src(%arg14 : memref<8x1024xf32, #tpu.memory_space<vmem>>) dst(%dma_wait3A_457 : memref<8x1024xf32, #tpu.memory_space<hbm>>)
      } else {
      }
      %add3A_245 = arith.constant 1 : i32
      %add3A_246 = arith.addi %mul3A_86, %add3A_245 : i32
      %mul3A_247 = arith.constant 8 : i32
      %mul3A_248 = arith.muli %add3A_246, %mul3A_247 : i32
      %add3A_249 = arith.addi %mul3A_2, %mul3A_248 : i32
      %dma_start3A_250 = arith.constant 3 : i32
      %dma_start3A_251 = arith.constant 0 : i32
      %dma_start3A_252 = tpu.memref_slice %arg2[%dma_start3A_250, %add3A_249, %dma_start3A_251] : memref<4x8192x1024xf32, #tpu.memory_space<hbm>> -> memref<1x8x1024xf32, #tpu.memory_space<hbm>>
      %dma_start3A_253 = tpu.memref_squeeze %dma_start3A_252 : memref<1x8x1024xf32, #tpu.memory_space<hbm>> -> memref<8x1024xf32, #tpu.memory_space<hbm>>
      %dma_start3A_254 = arith.constant 0 : i32
      %dma_start3A_255 = tpu.memref_slice %arg2[%dma_start3A_250, %add3A_249, %dma_start3A_254] : memref<4x8192x1024xf32, #tpu.memory_space<hbm>> -> memref<1x8x1024xf32, #tpu.memory_space<hbm>>
      %dma_start3A_256 = tpu.memref_squeeze %dma_start3A_255 : memref<1x8x1024xf32, #tpu.memory_space<hbm>> -> memref<8x1024xf32, #tpu.memory_space<hbm>>
      tpu.enqueue_dma source(%dma_start3A_256 : memref<8x1024xf32, #tpu.memory_space<hbm>>) target(%arg14 : memref<8x1024xf32, #tpu.memory_space<vmem>>) target_semaphore(%arg23 : memref<!tpu.dma_semaphore, #tpu.memory_space<semaphore_mem>>)
      %scan3A_257 = arith.constant 0 : i32
      %scan3A_258 = arith.constant 0 : i32
      %scan3A_259 = arith.constant 8 : i32
      %scan3A_260 = arith.addi %scan3A_258, %scan3A_259 : i32
      %scan3A_261 = arith.constant 1 : i32
      scf.for %scan3A_449 = %scan3A_258 to %scan3A_260 step %scan3A_261  : i32 {
        %parallel_loop3A = arith.constant 0 : i32
        %parallel_loop3A_450 = arith.constant 64 : i32
        %parallel_loop3A_451 = arith.constant 1 : i32
        scf.for %parallel_loop3A_452 = %parallel_loop3A to %parallel_loop3A_450 step %parallel_loop3A_451  : i32 {
          %parallel_loop3A_453 = arith.constant 16 : i32
          %parallel_loop3A_454 = arith.muli %parallel_loop3A_452, %parallel_loop3A_453 : i32
          %parallel_loop3A_455 = arith.index_cast %scan3A_449 : i32 to index
          %parallel_loop3A_456 = arith.index_cast %parallel_loop3A_454 : i32 to index
          %parallel_loop3A_457 = tpu.vector_load %arg5[%parallel_loop3A_455, %parallel_loop3A_456] {strides = array<i32>} : memref<8x1024xf32, #tpu.memory_space<vmem>>, vector<1x16xf32>,
          %parallel_loop3A_458 = vector.shape_cast %parallel_loop3A_457 : vector<1x16xf32> to vector<16xf32>
          %parallel_loop3A_459 = arith.index_cast %scan3A_449 : i32 to index
          %parallel_loop3A_460 = arith.index_cast %parallel_loop3A_454 : i32 to index
          %parallel_loop3A_461 = tpu.vector_load %arg10[%parallel_loop3A_459, %parallel_loop3A_460] {strides = array<i32>} : memref<8x1024xf32, #tpu.memory_space<vmem>>, vector<1x16xf32>,
          %parallel_loop3A_462 = vector.shape_cast %parallel_loop3A_461 : vector<1x16xf32> to vector<16xf32>
          %parallel_loop3A_463 = vector.shape_cast %parallel_loop3A_458 : vector<16xf32> to vector<1x16xf32>
          tpu.vector_store %arg10[%parallel_loop3A_459, %parallel_loop3A_460], %parallel_loop3A_463 {add = true, strides = array<i32>} : memref<8x1024xf32, #tpu.memory_space<vmem>>, vector<1x16xf32>,
        } {sc.loop_unroll_factor = 8 : i64, sc.parallel_access}
      }
      %scan3A_262 = arith.constant 8 : i32
      %mul3A_263 = arith.constant 8 : i32
      %mul3A_264 = arith.muli %mul3A_86, %mul3A_263 : i32
      %add3A_265 = arith.addi %mul3A_2, %mul3A_264 : i32
      %dma_start3A_266 = arith.constant 3 : i32
      %dma_start3A_267 = arith.constant 0 : i32
      %dma_start3A_268 = tpu.memref_slice %arg4[%dma_start3A_266, %add3A_265, %dma_start3A_267] : memref<4x8192x1024xf32, #tpu.memory_space<hbm>> -> memref<1x8x1024xf32, #tpu.memory_space<hbm>>
      %dma_start3A_269 = tpu.memref_squeeze %dma_start3A_268 : memref<1x8x1024xf32, #tpu.memory_space<hbm>> -> memref<8x1024xf32, #tpu.memory_space<hbm>>
      %dma_start3A_270 = arith.constant 0 : i32
      %dma_start3A_271 = tpu.memref_slice %arg4[%dma_start3A_266, %add3A_265, %dma_start3A_270] : memref<4x8192x1024xf32, #tpu.memory_space<hbm>> -> memref<1x8x1024xf32, #tpu.memory_space<hbm>>
      %dma_start3A_272 = tpu.memref_squeeze %dma_start3A_271 : memref<1x8x1024xf32, #tpu.memory_space<hbm>> -> memref<8x1024xf32, #tpu.memory_space<hbm>>
      tpu.enqueue_dma source(%arg10 : memref<8x1024xf32, #tpu.memory_space<vmem>>) target(%dma_start3A_272 : memref<8x1024xf32, #tpu.memory_space<hbm>>) target_semaphore(%arg27 : memref<!tpu.dma_semaphore, #tpu.memory_space<semaphore_mem>>)
      %add3A_273 = arith.constant 1 : i32
      %add3A_274 = arith.addi %mul3A_86, %add3A_273 : i32
      %eq3A_275 = arith.constant 15 : i32
      %eq3A_276 = arith.cmpi eq, %scan3A_84, %eq3A_275 : i32
      %mul3A_277 = arith.constant 8 : i32
      %mul3A_278 = arith.muli %add3A_274, %mul3A_277 : i32
      %add3A_279 = arith.addi %mul3A_2, %mul3A_278 : i32
      %dma_wait3A_280 = arith.constant 0 : i32
      %dma_wait3A_281 = tpu.memref_slice %arg3[%add3A_279, %dma_wait3A_280] : memref<8192x1024xf32, #tpu.memory_space<hbm>> -> memref<8x1024xf32, #tpu.memory_space<hbm>>
      %dma_wait3A_282 = arith.constant 0 : i32
      %dma_wait3A_283 = tpu.memref_slice %arg3[%add3A_279, %dma_wait3A_282] : memref<8192x1024xf32, #tpu.memory_space<hbm>> -> memref<8x1024xf32, #tpu.memory_space<hbm>>
      tpu.wait_dma2 semaphore(%arg15 : memref<!tpu.dma_semaphore, #tpu.memory_space<semaphore_mem>>) src(%dma_wait3A_283 : memref<8x1024xf32, #tpu.memory_space<hbm>>) dst(%arg6 : memref<8x1024xf32, #tpu.memory_space<vmem>>)
      %not3A_284 = arith.constant true
      %not3A_285 = arith.xori %eq3A_276, %not3A_284 : i1
      %convert_element_type3A_286 = arith.extui %not3A_285 : i1 to i32
      %cond3A_287 = arith.constant 0 : i32
      %cond3A_288 = arith.cmpi ne, %convert_element_type3A_286, %cond3A_287 : i32
      scf.if %cond3A_288 {
        %add3A_449 = arith.constant 1 : i32
        %add3A_450 = arith.addi %add3A_274, %add3A_449 : i32
        %mul3A_451 = arith.constant 8 : i32
        %mul3A_452 = arith.muli %add3A_450, %mul3A_451 : i32
        %add3A_453 = arith.addi %mul3A_2, %mul3A_452 : i32
        %dma_start3A_454 = arith.constant 0 : i32
        %dma_start3A_455 = tpu.memref_slice %arg3[%add3A_453, %dma_start3A_454] : memref<8192x1024xf32, #tpu.memory_space<hbm>> -> memref<8x1024xf32, #tpu.memory_space<hbm>>
        %dma_start3A_456 = arith.constant 0 : i32
        %dma_start3A_457 = tpu.memref_slice %arg3[%add3A_453, %dma_start3A_456] : memref<8192x1024xf32, #tpu.memory_space<hbm>> -> memref<8x1024xf32, #tpu.memory_space<hbm>>
        tpu.enqueue_dma source(%dma_start3A_457 : memref<8x1024xf32, #tpu.memory_space<hbm>>) target(%arg5 : memref<8x1024xf32, #tpu.memory_space<vmem>>) target_semaphore(%arg15 : memref<!tpu.dma_semaphore, #tpu.memory_space<semaphore_mem>>)
      } else {
      }
      %mul3A_289 = arith.constant 8 : i32
      %mul3A_290 = arith.muli %add3A_274, %mul3A_289 : i32
      %add3A_291 = arith.addi %mul3A_2, %mul3A_290 : i32
      %dma_wait3A_292 = arith.constant 0 : i32
      %dma_wait3A_293 = arith.constant 0 : i32
      %dma_wait3A_294 = tpu.memref_slice %arg2[%dma_wait3A_292, %add3A_291, %dma_wait3A_293] : memref<4x8192x1024xf32, #tpu.memory_space<hbm>> -> memref<1x8x1024xf32, #tpu.memory_space<hbm>>
      %dma_wait3A_295 = tpu.memref_squeeze %dma_wait3A_294 : memref<1x8x1024xf32, #tpu.memory_space<hbm>> -> memref<8x1024xf32, #tpu.memory_space<hbm>>
      %dma_wait3A_296 = arith.constant 0 : i32
      %dma_wait3A_297 = tpu.memref_slice %arg2[%dma_wait3A_292, %add3A_291, %dma_wait3A_296] : memref<4x8192x1024xf32, #tpu.memory_space<hbm>> -> memref<1x8x1024xf32, #tpu.memory_space<hbm>>
      %dma_wait3A_298 = tpu.memref_squeeze %dma_wait3A_297 : memref<1x8x1024xf32, #tpu.memory_space<hbm>> -> memref<8x1024xf32, #tpu.memory_space<hbm>>
      tpu.wait_dma2 semaphore(%arg20 : memref<!tpu.dma_semaphore, #tpu.memory_space<semaphore_mem>>) src(%dma_wait3A_298 : memref<8x1024xf32, #tpu.memory_space<hbm>>) dst(%arg11 : memref<8x1024xf32, #tpu.memory_space<vmem>>)
      %dma_wait3A_299 = arith.constant 0 : i32
      %dma_wait3A_300 = arith.constant 0 : i32
      %dma_wait3A_301 = arith.constant 0 : i32
      %dma_wait3A_302 = tpu.memref_slice %arg4[%dma_wait3A_299, %dma_wait3A_300, %dma_wait3A_301] : memref<4x8192x1024xf32, #tpu.memory_space<hbm>> -> memref<1x8x1024xf32, #tpu.memory_space<hbm>>
      %dma_wait3A_303 = tpu.memref_squeeze %dma_wait3A_302 : memref<1x8x1024xf32, #tpu.memory_space<hbm>> -> memref<8x1024xf32, #tpu.memory_space<hbm>>
      %dma_wait3A_304 = arith.constant 0 : i32
      %dma_wait3A_305 = arith.constant 0 : i32
      %dma_wait3A_306 = tpu.memref_slice %arg4[%dma_wait3A_299, %dma_wait3A_304, %dma_wait3A_305] : memref<4x8192x1024xf32, #tpu.memory_space<hbm>> -> memref<1x8x1024xf32, #tpu.memory_space<hbm>>
      %dma_wait3A_307 = tpu.memref_squeeze %dma_wait3A_306 : memref<1x8x1024xf32, #tpu.memory_space<hbm>> -> memref<8x1024xf32, #tpu.memory_space<hbm>>
      tpu.wait_dma2 semaphore(%arg24 : memref<!tpu.dma_semaphore, #tpu.memory_space<semaphore_mem>>) src(%arg7 : memref<8x1024xf32, #tpu.memory_space<vmem>>) dst(%dma_wait3A_307 : memref<8x1024xf32, #tpu.memory_space<hbm>>)
      %not3A_308 = arith.constant true
      %not3A_309 = arith.xori %eq3A_276, %not3A_308 : i1
      %convert_element_type3A_310 = arith.extui %not3A_309 : i1 to i32
      %cond3A_311 = arith.constant 0 : i32
      %cond3A_312 = arith.cmpi ne, %convert_element_type3A_310, %cond3A_311 : i32
      scf.if %cond3A_312 {
        %add3A_449 = arith.constant 1 : i32
        %add3A_450 = arith.addi %add3A_274, %add3A_449 : i32
        %mul3A_451 = arith.constant 8 : i32
        %mul3A_452 = arith.muli %add3A_450, %mul3A_451 : i32
        %add3A_453 = arith.addi %mul3A_2, %mul3A_452 : i32
        %dma_start3A_454 = arith.constant 0 : i32
        %dma_start3A_455 = arith.constant 0 : i32
        %dma_start3A_456 = tpu.memref_slice %arg2[%dma_start3A_454, %add3A_453, %dma_start3A_455] : memref<4x8192x1024xf32, #tpu.memory_space<hbm>> -> memref<1x8x1024xf32, #tpu.memory_space<hbm>>
        %dma_start3A_457 = tpu.memref_squeeze %dma_start3A_456 : memref<1x8x1024xf32, #tpu.memory_space<hbm>> -> memref<8x1024xf32, #tpu.memory_space<hbm>>
        %dma_start3A_458 = arith.constant 0 : i32
        %dma_start3A_459 = tpu.memref_slice %arg2[%dma_start3A_454, %add3A_453, %dma_start3A_458] : memref<4x8192x1024xf32, #tpu.memory_space<hbm>> -> memref<1x8x1024xf32, #tpu.memory_space<hbm>>
        %dma_start3A_460 = tpu.memref_squeeze %dma_start3A_459 : memref<1x8x1024xf32, #tpu.memory_space<hbm>> -> memref<8x1024xf32, #tpu.memory_space<hbm>>
        tpu.enqueue_dma source(%dma_start3A_460 : memref<8x1024xf32, #tpu.memory_space<hbm>>) target(%arg7 : memref<8x1024xf32, #tpu.memory_space<vmem>>) target_semaphore(%arg16 : memref<!tpu.dma_semaphore, #tpu.memory_space<semaphore_mem>>)
      } else {
      }
      %scan3A_313 = arith.constant 0 : i32
      %scan3A_314 = arith.constant 0 : i32
      %scan3A_315 = arith.constant 8 : i32
      %scan3A_316 = arith.addi %scan3A_314, %scan3A_315 : i32
      %scan3A_317 = arith.constant 1 : i32
      scf.for %scan3A_449 = %scan3A_314 to %scan3A_316 step %scan3A_317  : i32 {
        %parallel_loop3A = arith.constant 0 : i32
        %parallel_loop3A_450 = arith.constant 64 : i32
        %parallel_loop3A_451 = arith.constant 1 : i32
        scf.for %parallel_loop3A_452 = %parallel_loop3A to %parallel_loop3A_450 step %parallel_loop3A_451  : i32 {
          %parallel_loop3A_453 = arith.constant 16 : i32
          %parallel_loop3A_454 = arith.muli %parallel_loop3A_452, %parallel_loop3A_453 : i32
          %parallel_loop3A_455 = arith.index_cast %scan3A_449 : i32 to index
          %parallel_loop3A_456 = arith.index_cast %parallel_loop3A_454 : i32 to index
          %parallel_loop3A_457 = tpu.vector_load %arg6[%parallel_loop3A_455, %parallel_loop3A_456] {strides = array<i32>} : memref<8x1024xf32, #tpu.memory_space<vmem>>, vector<1x16xf32>,
          %parallel_loop3A_458 = vector.shape_cast %parallel_loop3A_457 : vector<1x16xf32> to vector<16xf32>
          %parallel_loop3A_459 = arith.index_cast %scan3A_449 : i32 to index
          %parallel_loop3A_460 = arith.index_cast %parallel_loop3A_454 : i32 to index
          %parallel_loop3A_461 = tpu.vector_load %arg11[%parallel_loop3A_459, %parallel_loop3A_460] {strides = array<i32>} : memref<8x1024xf32, #tpu.memory_space<vmem>>, vector<1x16xf32>,
          %parallel_loop3A_462 = vector.shape_cast %parallel_loop3A_461 : vector<1x16xf32> to vector<16xf32>
          %parallel_loop3A_463 = vector.shape_cast %parallel_loop3A_458 : vector<16xf32> to vector<1x16xf32>
          tpu.vector_store %arg11[%parallel_loop3A_459, %parallel_loop3A_460], %parallel_loop3A_463 {add = true, strides = array<i32>} : memref<8x1024xf32, #tpu.memory_space<vmem>>, vector<1x16xf32>,
        } {sc.loop_unroll_factor = 8 : i64, sc.parallel_access}
      }
      %scan3A_318 = arith.constant 8 : i32
      %mul3A_319 = arith.constant 8 : i32
      %mul3A_320 = arith.muli %add3A_274, %mul3A_319 : i32
      %add3A_321 = arith.addi %mul3A_2, %mul3A_320 : i32
      %dma_start3A_322 = arith.constant 0 : i32
      %dma_start3A_323 = arith.constant 0 : i32
      %dma_start3A_324 = tpu.memref_slice %arg4[%dma_start3A_322, %add3A_321, %dma_start3A_323] : memref<4x8192x1024xf32, #tpu.memory_space<hbm>> -> memref<1x8x1024xf32, #tpu.memory_space<hbm>>
      %dma_start3A_325 = tpu.memref_squeeze %dma_start3A_324 : memref<1x8x1024xf32, #tpu.memory_space<hbm>> -> memref<8x1024xf32, #tpu.memory_space<hbm>>
      %dma_start3A_326 = arith.constant 0 : i32
      %dma_start3A_327 = tpu.memref_slice %arg4[%dma_start3A_322, %add3A_321, %dma_start3A_326] : memref<4x8192x1024xf32, #tpu.memory_space<hbm>> -> memref<1x8x1024xf32, #tpu.memory_space<hbm>>
      %dma_start3A_328 = tpu.memref_squeeze %dma_start3A_327 : memref<1x8x1024xf32, #tpu.memory_space<hbm>> -> memref<8x1024xf32, #tpu.memory_space<hbm>>
      tpu.enqueue_dma source(%arg11 : memref<8x1024xf32, #tpu.memory_space<vmem>>) target(%dma_start3A_328 : memref<8x1024xf32, #tpu.memory_space<hbm>>) target_semaphore(%arg28 : memref<!tpu.dma_semaphore, #tpu.memory_space<semaphore_mem>>)
      %mul3A_329 = arith.constant 8 : i32
      %mul3A_330 = arith.muli %add3A_274, %mul3A_329 : i32
      %add3A_331 = arith.addi %mul3A_2, %mul3A_330 : i32
      %dma_wait3A_332 = arith.constant 1 : i32
      %dma_wait3A_333 = arith.constant 0 : i32
      %dma_wait3A_334 = tpu.memref_slice %arg2[%dma_wait3A_332, %add3A_331, %dma_wait3A_333] : memref<4x8192x1024xf32, #tpu.memory_space<hbm>> -> memref<1x8x1024xf32, #tpu.memory_space<hbm>>
      %dma_wait3A_335 = tpu.memref_squeeze %dma_wait3A_334 : memref<1x8x1024xf32, #tpu.memory_space<hbm>> -> memref<8x1024xf32, #tpu.memory_space<hbm>>
      %dma_wait3A_336 = arith.constant 0 : i32
      %dma_wait3A_337 = tpu.memref_slice %arg2[%dma_wait3A_332, %add3A_331, %dma_wait3A_336] : memref<4x8192x1024xf32, #tpu.memory_space<hbm>> -> memref<1x8x1024xf32, #tpu.memory_space<hbm>>
      %dma_wait3A_338 = tpu.memref_squeeze %dma_wait3A_337 : memref<1x8x1024xf32, #tpu.memory_space<hbm>> -> memref<8x1024xf32, #tpu.memory_space<hbm>>
      tpu.wait_dma2 semaphore(%arg21 : memref<!tpu.dma_semaphore, #tpu.memory_space<semaphore_mem>>) src(%dma_wait3A_338 : memref<8x1024xf32, #tpu.memory_space<hbm>>) dst(%arg12 : memref<8x1024xf32, #tpu.memory_space<vmem>>)
      %dma_wait3A_339 = arith.constant 0 : i32
      %dma_wait3A_340 = arith.constant 0 : i32
      %dma_wait3A_341 = arith.constant 0 : i32
      %dma_wait3A_342 = tpu.memref_slice %arg4[%dma_wait3A_339, %dma_wait3A_340, %dma_wait3A_341] : memref<4x8192x1024xf32, #tpu.memory_space<hbm>> -> memref<1x8x1024xf32, #tpu.memory_space<hbm>>
      %dma_wait3A_343 = tpu.memref_squeeze %dma_wait3A_342 : memref<1x8x1024xf32, #tpu.memory_space<hbm>> -> memref<8x1024xf32, #tpu.memory_space<hbm>>
      %dma_wait3A_344 = arith.constant 0 : i32
      %dma_wait3A_345 = arith.constant 0 : i32
      %dma_wait3A_346 = tpu.memref_slice %arg4[%dma_wait3A_339, %dma_wait3A_344, %dma_wait3A_345] : memref<4x8192x1024xf32, #tpu.memory_space<hbm>> -> memref<1x8x1024xf32, #tpu.memory_space<hbm>>
      %dma_wait3A_347 = tpu.memref_squeeze %dma_wait3A_346 : memref<1x8x1024xf32, #tpu.memory_space<hbm>> -> memref<8x1024xf32, #tpu.memory_space<hbm>>
      tpu.wait_dma2 semaphore(%arg25 : memref<!tpu.dma_semaphore, #tpu.memory_space<semaphore_mem>>) src(%arg8 : memref<8x1024xf32, #tpu.memory_space<vmem>>) dst(%dma_wait3A_347 : memref<8x1024xf32, #tpu.memory_space<hbm>>)
      %not3A_348 = arith.constant true
      %not3A_349 = arith.xori %eq3A_276, %not3A_348 : i1
      %convert_element_type3A_350 = arith.extui %not3A_349 : i1 to i32
      %cond3A_351 = arith.constant 0 : i32
      %cond3A_352 = arith.cmpi ne, %convert_element_type3A_350, %cond3A_351 : i32
      scf.if %cond3A_352 {
        %add3A_449 = arith.constant 1 : i32
        %add3A_450 = arith.addi %add3A_274, %add3A_449 : i32
        %mul3A_451 = arith.constant 8 : i32
        %mul3A_452 = arith.muli %add3A_450, %mul3A_451 : i32
        %add3A_453 = arith.addi %mul3A_2, %mul3A_452 : i32
        %dma_start3A_454 = arith.constant 1 : i32
        %dma_start3A_455 = arith.constant 0 : i32
        %dma_start3A_456 = tpu.memref_slice %arg2[%dma_start3A_454, %add3A_453, %dma_start3A_455] : memref<4x8192x1024xf32, #tpu.memory_space<hbm>> -> memref<1x8x1024xf32, #tpu.memory_space<hbm>>
        %dma_start3A_457 = tpu.memref_squeeze %dma_start3A_456 : memref<1x8x1024xf32, #tpu.memory_space<hbm>> -> memref<8x1024xf32, #tpu.memory_space<hbm>>
        %dma_start3A_458 = arith.constant 0 : i32
        %dma_start3A_459 = tpu.memref_slice %arg2[%dma_start3A_454, %add3A_453, %dma_start3A_458] : memref<4x8192x1024xf32, #tpu.memory_space<hbm>> -> memref<1x8x1024xf32, #tpu.memory_space<hbm>>
        %dma_start3A_460 = tpu.memref_squeeze %dma_start3A_459 : memref<1x8x1024xf32, #tpu.memory_space<hbm>> -> memref<8x1024xf32, #tpu.memory_space<hbm>>
        tpu.enqueue_dma source(%dma_start3A_460 : memref<8x1024xf32, #tpu.memory_space<hbm>>) target(%arg8 : memref<8x1024xf32, #tpu.memory_space<vmem>>) target_semaphore(%arg17 : memref<!tpu.dma_semaphore, #tpu.memory_space<semaphore_mem>>)
      } else {
      }
      %scan3A_353 = arith.constant 0 : i32
      %scan3A_354 = arith.constant 0 : i32
      %scan3A_355 = arith.constant 8 : i32
      %scan3A_356 = arith.addi %scan3A_354, %scan3A_355 : i32
      %scan3A_357 = arith.constant 1 : i32
      scf.for %scan3A_449 = %scan3A_354 to %scan3A_356 step %scan3A_357  : i32 {
        %parallel_loop3A = arith.constant 0 : i32
        %parallel_loop3A_450 = arith.constant 64 : i32
        %parallel_loop3A_451 = arith.constant 1 : i32
        scf.for %parallel_loop3A_452 = %parallel_loop3A to %parallel_loop3A_450 step %parallel_loop3A_451  : i32 {
          %parallel_loop3A_453 = arith.constant 16 : i32
          %parallel_loop3A_454 = arith.muli %parallel_loop3A_452, %parallel_loop3A_453 : i32
          %parallel_loop3A_455 = arith.index_cast %scan3A_449 : i32 to index
          %parallel_loop3A_456 = arith.index_cast %parallel_loop3A_454 : i32 to index
          %parallel_loop3A_457 = tpu.vector_load %arg6[%parallel_loop3A_455, %parallel_loop3A_456] {strides = array<i32>} : memref<8x1024xf32, #tpu.memory_space<vmem>>, vector<1x16xf32>,
          %parallel_loop3A_458 = vector.shape_cast %parallel_loop3A_457 : vector<1x16xf32> to vector<16xf32>
          %parallel_loop3A_459 = arith.index_cast %scan3A_449 : i32 to index
          %parallel_loop3A_460 = arith.index_cast %parallel_loop3A_454 : i32 to index
          %parallel_loop3A_461 = tpu.vector_load %arg12[%parallel_loop3A_459, %parallel_loop3A_460] {strides = array<i32>} : memref<8x1024xf32, #tpu.memory_space<vmem>>, vector<1x16xf32>,
          %parallel_loop3A_462 = vector.shape_cast %parallel_loop3A_461 : vector<1x16xf32> to vector<16xf32>
          %parallel_loop3A_463 = vector.shape_cast %parallel_loop3A_458 : vector<16xf32> to vector<1x16xf32>
          tpu.vector_store %arg12[%parallel_loop3A_459, %parallel_loop3A_460], %parallel_loop3A_463 {add = true, strides = array<i32>} : memref<8x1024xf32, #tpu.memory_space<vmem>>, vector<1x16xf32>,
        } {sc.loop_unroll_factor = 8 : i64, sc.parallel_access}
      }
      %scan3A_358 = arith.constant 8 : i32
      %mul3A_359 = arith.constant 8 : i32
      %mul3A_360 = arith.muli %add3A_274, %mul3A_359 : i32
      %add3A_361 = arith.addi %mul3A_2, %mul3A_360 : i32
      %dma_start3A_362 = arith.constant 1 : i32
      %dma_start3A_363 = arith.constant 0 : i32
      %dma_start3A_364 = tpu.memref_slice %arg4[%dma_start3A_362, %add3A_361, %dma_start3A_363] : memref<4x8192x1024xf32, #tpu.memory_space<hbm>> -> memref<1x8x1024xf32, #tpu.memory_space<hbm>>
      %dma_start3A_365 = tpu.memref_squeeze %dma_start3A_364 : memref<1x8x1024xf32, #tpu.memory_space<hbm>> -> memref<8x1024xf32, #tpu.memory_space<hbm>>
      %dma_start3A_366 = arith.constant 0 : i32
      %dma_start3A_367 = tpu.memref_slice %arg4[%dma_start3A_362, %add3A_361, %dma_start3A_366] : memref<4x8192x1024xf32, #tpu.memory_space<hbm>> -> memref<1x8x1024xf32, #tpu.memory_space<hbm>>
      %dma_start3A_368 = tpu.memref_squeeze %dma_start3A_367 : memref<1x8x1024xf32, #tpu.memory_space<hbm>> -> memref<8x1024xf32, #tpu.memory_space<hbm>>
      tpu.enqueue_dma source(%arg12 : memref<8x1024xf32, #tpu.memory_space<vmem>>) target(%dma_start3A_368 : memref<8x1024xf32, #tpu.memory_space<hbm>>) target_semaphore(%arg29 : memref<!tpu.dma_semaphore, #tpu.memory_space<semaphore_mem>>)
      %mul3A_369 = arith.constant 8 : i32
      %mul3A_370 = arith.muli %add3A_274, %mul3A_369 : i32
      %add3A_371 = arith.addi %mul3A_2, %mul3A_370 : i32
      %dma_wait3A_372 = arith.constant 2 : i32
      %dma_wait3A_373 = arith.constant 0 : i32
      %dma_wait3A_374 = tpu.memref_slice %arg2[%dma_wait3A_372, %add3A_371, %dma_wait3A_373] : memref<4x8192x1024xf32, #tpu.memory_space<hbm>> -> memref<1x8x1024xf32, #tpu.memory_space<hbm>>
      %dma_wait3A_375 = tpu.memref_squeeze %dma_wait3A_374 : memref<1x8x1024xf32, #tpu.memory_space<hbm>> -> memref<8x1024xf32, #tpu.memory_space<hbm>>
      %dma_wait3A_376 = arith.constant 0 : i32
      %dma_wait3A_377 = tpu.memref_slice %arg2[%dma_wait3A_372, %add3A_371, %dma_wait3A_376] : memref<4x8192x1024xf32, #tpu.memory_space<hbm>> -> memref<1x8x1024xf32, #tpu.memory_space<hbm>>
      %dma_wait3A_378 = tpu.memref_squeeze %dma_wait3A_377 : memref<1x8x1024xf32, #tpu.memory_space<hbm>> -> memref<8x1024xf32, #tpu.memory_space<hbm>>
      tpu.wait_dma2 semaphore(%arg22 : memref<!tpu.dma_semaphore, #tpu.memory_space<semaphore_mem>>) src(%dma_wait3A_378 : memref<8x1024xf32, #tpu.memory_space<hbm>>) dst(%arg13 : memref<8x1024xf32, #tpu.memory_space<vmem>>)
      %dma_wait3A_379 = arith.constant 0 : i32
      %dma_wait3A_380 = arith.constant 0 : i32
      %dma_wait3A_381 = arith.constant 0 : i32
      %dma_wait3A_382 = tpu.memref_slice %arg4[%dma_wait3A_379, %dma_wait3A_380, %dma_wait3A_381] : memref<4x8192x1024xf32, #tpu.memory_space<hbm>> -> memref<1x8x1024xf32, #tpu.memory_space<hbm>>
      %dma_wait3A_383 = tpu.memref_squeeze %dma_wait3A_382 : memref<1x8x1024xf32, #tpu.memory_space<hbm>> -> memref<8x1024xf32, #tpu.memory_space<hbm>>
      %dma_wait3A_384 = arith.constant 0 : i32
      %dma_wait3A_385 = arith.constant 0 : i32
      %dma_wait3A_386 = tpu.memref_slice %arg4[%dma_wait3A_379, %dma_wait3A_384, %dma_wait3A_385] : memref<4x8192x1024xf32, #tpu.memory_space<hbm>> -> memref<1x8x1024xf32, #tpu.memory_space<hbm>>
      %dma_wait3A_387 = tpu.memref_squeeze %dma_wait3A_386 : memref<1x8x1024xf32, #tpu.memory_space<hbm>> -> memref<8x1024xf32, #tpu.memory_space<hbm>>
      tpu.wait_dma2 semaphore(%arg26 : memref<!tpu.dma_semaphore, #tpu.memory_space<semaphore_mem>>) src(%arg9 : memref<8x1024xf32, #tpu.memory_space<vmem>>) dst(%dma_wait3A_387 : memref<8x1024xf32, #tpu.memory_space<hbm>>)
      %not3A_388 = arith.constant true
      %not3A_389 = arith.xori %eq3A_276, %not3A_388 : i1
      %convert_element_type3A_390 = arith.extui %not3A_389 : i1 to i32
      %cond3A_391 = arith.constant 0 : i32
      %cond3A_392 = arith.cmpi ne, %convert_element_type3A_390, %cond3A_391 : i32
      scf.if %cond3A_392 {
        %add3A_449 = arith.constant 1 : i32
        %add3A_450 = arith.addi %add3A_274, %add3A_449 : i32
        %mul3A_451 = arith.constant 8 : i32
        %mul3A_452 = arith.muli %add3A_450, %mul3A_451 : i32
        %add3A_453 = arith.addi %mul3A_2, %mul3A_452 : i32
        %dma_start3A_454 = arith.constant 2 : i32
        %dma_start3A_455 = arith.constant 0 : i32
        %dma_start3A_456 = tpu.memref_slice %arg2[%dma_start3A_454, %add3A_453, %dma_start3A_455] : memref<4x8192x1024xf32, #tpu.memory_space<hbm>> -> memref<1x8x1024xf32, #tpu.memory_space<hbm>>
        %dma_start3A_457 = tpu.memref_squeeze %dma_start3A_456 : memref<1x8x1024xf32, #tpu.memory_space<hbm>> -> memref<8x1024xf32, #tpu.memory_space<hbm>>
        %dma_start3A_458 = arith.constant 0 : i32
        %dma_start3A_459 = tpu.memref_slice %arg2[%dma_start3A_454, %add3A_453, %dma_start3A_458] : memref<4x8192x1024xf32, #tpu.memory_space<hbm>> -> memref<1x8x1024xf32, #tpu.memory_space<hbm>>
        %dma_start3A_460 = tpu.memref_squeeze %dma_start3A_459 : memref<1x8x1024xf32, #tpu.memory_space<hbm>> -> memref<8x1024xf32, #tpu.memory_space<hbm>>
        tpu.enqueue_dma source(%dma_start3A_460 : memref<8x1024xf32, #tpu.memory_space<hbm>>) target(%arg9 : memref<8x1024xf32, #tpu.memory_space<vmem>>) target_semaphore(%arg18 : memref<!tpu.dma_semaphore, #tpu.memory_space<semaphore_mem>>)
      } else {
      }
      %scan3A_393 = arith.constant 0 : i32
      %scan3A_394 = arith.constant 0 : i32
      %scan3A_395 = arith.constant 8 : i32
      %scan3A_396 = arith.addi %scan3A_394, %scan3A_395 : i32
      %scan3A_397 = arith.constant 1 : i32
      scf.for %scan3A_449 = %scan3A_394 to %scan3A_396 step %scan3A_397  : i32 {
        %parallel_loop3A = arith.constant 0 : i32
        %parallel_loop3A_450 = arith.constant 64 : i32
        %parallel_loop3A_451 = arith.constant 1 : i32
        scf.for %parallel_loop3A_452 = %parallel_loop3A to %parallel_loop3A_450 step %parallel_loop3A_451  : i32 {
          %parallel_loop3A_453 = arith.constant 16 : i32
          %parallel_loop3A_454 = arith.muli %parallel_loop3A_452, %parallel_loop3A_453 : i32
          %parallel_loop3A_455 = arith.index_cast %scan3A_449 : i32 to index
          %parallel_loop3A_456 = arith.index_cast %parallel_loop3A_454 : i32 to index
          %parallel_loop3A_457 = tpu.vector_load %arg6[%parallel_loop3A_455, %parallel_loop3A_456] {strides = array<i32>} : memref<8x1024xf32, #tpu.memory_space<vmem>>, vector<1x16xf32>,
          %parallel_loop3A_458 = vector.shape_cast %parallel_loop3A_457 : vector<1x16xf32> to vector<16xf32>
          %parallel_loop3A_459 = arith.index_cast %scan3A_449 : i32 to index
          %parallel_loop3A_460 = arith.index_cast %parallel_loop3A_454 : i32 to index
          %parallel_loop3A_461 = tpu.vector_load %arg13[%parallel_loop3A_459, %parallel_loop3A_460] {strides = array<i32>} : memref<8x1024xf32, #tpu.memory_space<vmem>>, vector<1x16xf32>,
          %parallel_loop3A_462 = vector.shape_cast %parallel_loop3A_461 : vector<1x16xf32> to vector<16xf32>
          %parallel_loop3A_463 = vector.shape_cast %parallel_loop3A_458 : vector<16xf32> to vector<1x16xf32>
          tpu.vector_store %arg13[%parallel_loop3A_459, %parallel_loop3A_460], %parallel_loop3A_463 {add = true, strides = array<i32>} : memref<8x1024xf32, #tpu.memory_space<vmem>>, vector<1x16xf32>,
        } {sc.loop_unroll_factor = 8 : i64, sc.parallel_access}
      }
      %scan3A_398 = arith.constant 8 : i32
      %mul3A_399 = arith.constant 8 : i32
      %mul3A_400 = arith.muli %add3A_274, %mul3A_399 : i32
      %add3A_401 = arith.addi %mul3A_2, %mul3A_400 : i32
      %dma_start3A_402 = arith.constant 2 : i32
      %dma_start3A_403 = arith.constant 0 : i32
      %dma_start3A_404 = tpu.memref_slice %arg4[%dma_start3A_402, %add3A_401, %dma_start3A_403] : memref<4x8192x1024xf32, #tpu.memory_space<hbm>> -> memref<1x8x1024xf32, #tpu.memory_space<hbm>>
      %dma_start3A_405 = tpu.memref_squeeze %dma_start3A_404 : memref<1x8x1024xf32, #tpu.memory_space<hbm>> -> memref<8x1024xf32, #tpu.memory_space<hbm>>
      %dma_start3A_406 = arith.constant 0 : i32
      %dma_start3A_407 = tpu.memref_slice %arg4[%dma_start3A_402, %add3A_401, %dma_start3A_406] : memref<4x8192x1024xf32, #tpu.memory_space<hbm>> -> memref<1x8x1024xf32, #tpu.memory_space<hbm>>
      %dma_start3A_408 = tpu.memref_squeeze %dma_start3A_407 : memref<1x8x1024xf32, #tpu.memory_space<hbm>> -> memref<8x1024xf32, #tpu.memory_space<hbm>>
      tpu.enqueue_dma source(%arg13 : memref<8x1024xf32, #tpu.memory_space<vmem>>) target(%dma_start3A_408 : memref<8x1024xf32, #tpu.memory_space<hbm>>) target_semaphore(%arg30 : memref<!tpu.dma_semaphore, #tpu.memory_space<semaphore_mem>>)
      %mul3A_409 = arith.constant 8 : i32
      %mul3A_410 = arith.muli %add3A_274, %mul3A_409 : i32
      %add3A_411 = arith.addi %mul3A_2, %mul3A_410 : i32
      %dma_wait3A_412 = arith.constant 3 : i32
      %dma_wait3A_413 = arith.constant 0 : i32
      %dma_wait3A_414 = tpu.memref_slice %arg2[%dma_wait3A_412, %add3A_411, %dma_wait3A_413] : memref<4x8192x1024xf32, #tpu.memory_space<hbm>> -> memref<1x8x1024xf32, #tpu.memory_space<hbm>>
      %dma_wait3A_415 = tpu.memref_squeeze %dma_wait3A_414 : memref<1x8x1024xf32, #tpu.memory_space<hbm>> -> memref<8x1024xf32, #tpu.memory_space<hbm>>
      %dma_wait3A_416 = arith.constant 0 : i32
      %dma_wait3A_417 = tpu.memref_slice %arg2[%dma_wait3A_412, %add3A_411, %dma_wait3A_416] : memref<4x8192x1024xf32, #tpu.memory_space<hbm>> -> memref<1x8x1024xf32, #tpu.memory_space<hbm>>
      %dma_wait3A_418 = tpu.memref_squeeze %dma_wait3A_417 : memref<1x8x1024xf32, #tpu.memory_space<hbm>> -> memref<8x1024xf32, #tpu.memory_space<hbm>>
      tpu.wait_dma2 semaphore(%arg23 : memref<!tpu.dma_semaphore, #tpu.memory_space<semaphore_mem>>) src(%dma_wait3A_418 : memref<8x1024xf32, #tpu.memory_space<hbm>>) dst(%arg14 : memref<8x1024xf32, #tpu.memory_space<vmem>>)
      %dma_wait3A_419 = arith.constant 0 : i32
      %dma_wait3A_420 = arith.constant 0 : i32
      %dma_wait3A_421 = arith.constant 0 : i32
      %dma_wait3A_422 = tpu.memref_slice %arg4[%dma_wait3A_419, %dma_wait3A_420, %dma_wait3A_421] : memref<4x8192x1024xf32, #tpu.memory_space<hbm>> -> memref<1x8x1024xf32, #tpu.memory_space<hbm>>
      %dma_wait3A_423 = tpu.memref_squeeze %dma_wait3A_422 : memref<1x8x1024xf32, #tpu.memory_space<hbm>> -> memref<8x1024xf32, #tpu.memory_space<hbm>>
      %dma_wait3A_424 = arith.constant 0 : i32
      %dma_wait3A_425 = arith.constant 0 : i32
      %dma_wait3A_426 = tpu.memref_slice %arg4[%dma_wait3A_419, %dma_wait3A_424, %dma_wait3A_425] : memref<4x8192x1024xf32, #tpu.memory_space<hbm>> -> memref<1x8x1024xf32, #tpu.memory_space<hbm>>
      %dma_wait3A_427 = tpu.memref_squeeze %dma_wait3A_426 : memref<1x8x1024xf32, #tpu.memory_space<hbm>> -> memref<8x1024xf32, #tpu.memory_space<hbm>>
      tpu.wait_dma2 semaphore(%arg27 : memref<!tpu.dma_semaphore, #tpu.memory_space<semaphore_mem>>) src(%arg10 : memref<8x1024xf32, #tpu.memory_space<vmem>>) dst(%dma_wait3A_427 : memref<8x1024xf32, #tpu.memory_space<hbm>>)
      %not3A_428 = arith.constant true
      %not3A_429 = arith.xori %eq3A_276, %not3A_428 : i1
      %convert_element_type3A_430 = arith.extui %not3A_429 : i1 to i32
      %cond3A_431 = arith.constant 0 : i32
      %cond3A_432 = arith.cmpi ne, %convert_element_type3A_430, %cond3A_431 : i32
      scf.if %cond3A_432 {
        %add3A_449 = arith.constant 1 : i32
        %add3A_450 = arith.addi %add3A_274, %add3A_449 : i32
        %mul3A_451 = arith.constant 8 : i32
        %mul3A_452 = arith.muli %add3A_450, %mul3A_451 : i32
        %add3A_453 = arith.addi %mul3A_2, %mul3A_452 : i32
        %dma_start3A_454 = arith.constant 3 : i32
        %dma_start3A_455 = arith.constant 0 : i32
        %dma_start3A_456 = tpu.memref_slice %arg2[%dma_start3A_454, %add3A_453, %dma_start3A_455] : memref<4x8192x1024xf32, #tpu.memory_space<hbm>> -> memref<1x8x1024xf32, #tpu.memory_space<hbm>>
        %dma_start3A_457 = tpu.memref_squeeze %dma_start3A_456 : memref<1x8x1024xf32, #tpu.memory_space<hbm>> -> memref<8x1024xf32, #tpu.memory_space<hbm>>
        %dma_start3A_458 = arith.constant 0 : i32
        %dma_start3A_459 = tpu.memref_slice %arg2[%dma_start3A_454, %add3A_453, %dma_start3A_458] : memref<4x8192x1024xf32, #tpu.memory_space<hbm>> -> memref<1x8x1024xf32, #tpu.memory_space<hbm>>
        %dma_start3A_460 = tpu.memref_squeeze %dma_start3A_459 : memref<1x8x1024xf32, #tpu.memory_space<hbm>> -> memref<8x1024xf32, #tpu.memory_space<hbm>>
        tpu.enqueue_dma source(%dma_start3A_460 : memref<8x1024xf32, #tpu.memory_space<hbm>>) target(%arg10 : memref<8x1024xf32, #tpu.memory_space<vmem>>) target_semaphore(%arg19 : memref<!tpu.dma_semaphore, #tpu.memory_space<semaphore_mem>>)
      } else {
      }
      %scan3A_433 = arith.constant 0 : i32
      %scan3A_434 = arith.constant 0 : i32
      %scan3A_435 = arith.constant 8 : i32
      %scan3A_436 = arith.addi %scan3A_434, %scan3A_435 : i32
      %scan3A_437 = arith.constant 1 : i32
      scf.for %scan3A_449 = %scan3A_434 to %scan3A_436 step %scan3A_437  : i32 {
        %parallel_loop3A = arith.constant 0 : i32
        %parallel_loop3A_450 = arith.constant 64 : i32
        %parallel_loop3A_451 = arith.constant 1 : i32
        scf.for %parallel_loop3A_452 = %parallel_loop3A to %parallel_loop3A_450 step %parallel_loop3A_451  : i32 {
          %parallel_loop3A_453 = arith.constant 16 : i32
          %parallel_loop3A_454 = arith.muli %parallel_loop3A_452, %parallel_loop3A_453 : i32
          %parallel_loop3A_455 = arith.index_cast %scan3A_449 : i32 to index
          %parallel_loop3A_456 = arith.index_cast %parallel_loop3A_454 : i32 to index
          %parallel_loop3A_457 = tpu.vector_load %arg6[%parallel_loop3A_455, %parallel_loop3A_456] {strides = array<i32>} : memref<8x1024xf32, #tpu.memory_space<vmem>>, vector<1x16xf32>,
          %parallel_loop3A_458 = vector.shape_cast %parallel_loop3A_457 : vector<1x16xf32> to vector<16xf32>
          %parallel_loop3A_459 = arith.index_cast %scan3A_449 : i32 to index
          %parallel_loop3A_460 = arith.index_cast %parallel_loop3A_454 : i32 to index
          %parallel_loop3A_461 = tpu.vector_load %arg14[%parallel_loop3A_459, %parallel_loop3A_460] {strides = array<i32>} : memref<8x1024xf32, #tpu.memory_space<vmem>>, vector<1x16xf32>,
          %parallel_loop3A_462 = vector.shape_cast %parallel_loop3A_461 : vector<1x16xf32> to vector<16xf32>
          %parallel_loop3A_463 = vector.shape_cast %parallel_loop3A_458 : vector<16xf32> to vector<1x16xf32>
          tpu.vector_store %arg14[%parallel_loop3A_459, %parallel_loop3A_460], %parallel_loop3A_463 {add = true, strides = array<i32>} : memref<8x1024xf32, #tpu.memory_space<vmem>>, vector<1x16xf32>,
        } {sc.loop_unroll_factor = 8 : i64, sc.parallel_access}
      }
      %scan3A_438 = arith.constant 8 : i32
      %mul3A_439 = arith.constant 8 : i32
      %mul3A_440 = arith.muli %add3A_274, %mul3A_439 : i32
      %add3A_441 = arith.addi %mul3A_2, %mul3A_440 : i32
      %dma_start3A_442 = arith.constant 3 : i32
      %dma_start3A_443 = arith.constant 0 : i32
      %dma_start3A_444 = tpu.memref_slice %arg4[%dma_start3A_442, %add3A_441, %dma_start3A_443] : memref<4x8192x1024xf32, #tpu.memory_space<hbm>> -> memref<1x8x1024xf32, #tpu.memory_space<hbm>>
      %dma_start3A_445 = tpu.memref_squeeze %dma_start3A_444 : memref<1x8x1024xf32, #tpu.memory_space<hbm>> -> memref<8x1024xf32, #tpu.memory_space<hbm>>
      %dma_start3A_446 = arith.constant 0 : i32
      %dma_start3A_447 = tpu.memref_slice %arg4[%dma_start3A_442, %add3A_441, %dma_start3A_446] : memref<4x8192x1024xf32, #tpu.memory_space<hbm>> -> memref<1x8x1024xf32, #tpu.memory_space<hbm>>
      %dma_start3A_448 = tpu.memref_squeeze %dma_start3A_447 : memref<1x8x1024xf32, #tpu.memory_space<hbm>> -> memref<8x1024xf32, #tpu.memory_space<hbm>>
      tpu.enqueue_dma source(%arg14 : memref<8x1024xf32, #tpu.memory_space<vmem>>) target(%dma_start3A_448 : memref<8x1024xf32, #tpu.memory_space<hbm>>) target_semaphore(%arg31 : memref<!tpu.dma_semaphore, #tpu.memory_space<semaphore_mem>>)
    }
    %scan3A_48 = arith.constant 16 : i32
    %dma_wait3A = arith.constant 0 : i32
    %dma_wait3A_49 = arith.constant 0 : i32
    %dma_wait3A_50 = arith.constant 0 : i32
    %dma_wait3A_51 = tpu.memref_slice %arg4[%dma_wait3A, %dma_wait3A_49, %dma_wait3A_50] : memref<4x8192x1024xf32, #tpu.memory_space<hbm>> -> memref<1x8x1024xf32, #tpu.memory_space<hbm>>
    %dma_wait3A_52 = tpu.memref_squeeze %dma_wait3A_51 : memref<1x8x1024xf32, #tpu.memory_space<hbm>> -> memref<8x1024xf32, #tpu.memory_space<hbm>>
    %dma_wait3A_53 = arith.constant 0 : i32
    %dma_wait3A_54 = arith.constant 0 : i32
    %dma_wait3A_55 = tpu.memref_slice %arg4[%dma_wait3A, %dma_wait3A_53, %dma_wait3A_54] : memref<4x8192x1024xf32, #tpu.memory_space<hbm>> -> memref<1x8x1024xf32, #tpu.memory_space<hbm>>
    %dma_wait3A_56 = tpu.memref_squeeze %dma_wait3A_55 : memref<1x8x1024xf32, #tpu.memory_space<hbm>> -> memref<8x1024xf32, #tpu.memory_space<hbm>>
    tpu.wait_dma2 semaphore(%arg28 : memref<!tpu.dma_semaphore, #tpu.memory_space<semaphore_mem>>) src(%arg11 : memref<8x1024xf32, #tpu.memory_space<vmem>>) dst(%dma_wait3A_56 : memref<8x1024xf32, #tpu.memory_space<hbm>>)
    %dma_wait3A_57 = arith.constant 0 : i32
    %dma_wait3A_58 = arith.constant 0 : i32
    %dma_wait3A_59 = arith.constant 0 : i32
    %dma_wait3A_60 = tpu.memref_slice %arg4[%dma_wait3A_57, %dma_wait3A_58, %dma_wait3A_59] : memref<4x8192x1024xf32, #tpu.memory_space<hbm>> -> memref<1x8x1024xf32, #tpu.memory_space<hbm>>
    %dma_wait3A_61 = tpu.memref_squeeze %dma_wait3A_60 : memref<1x8x1024xf32, #tpu.memory_space<hbm>> -> memref<8x1024xf32, #tpu.memory_space<hbm>>
    %dma_wait3A_62 = arith.constant 0 : i32
    %dma_wait3A_63 = arith.constant 0 : i32
    %dma_wait3A_64 = tpu.memref_slice %arg4[%dma_wait3A_57, %dma_wait3A_62, %dma_wait3A_63] : memref<4x8192x1024xf32, #tpu.memory_space<hbm>> -> memref<1x8x1024xf32, #tpu.memory_space<hbm>>
    %dma_wait3A_65 = tpu.memref_squeeze %dma_wait3A_64 : memref<1x8x1024xf32, #tpu.memory_space<hbm>> -> memref<8x1024xf32, #tpu.memory_space<hbm>>
    tpu.wait_dma2 semaphore(%arg29 : memref<!tpu.dma_semaphore, #tpu.memory_space<semaphore_mem>>) src(%arg12 : memref<8x1024xf32, #tpu.memory_space<vmem>>) dst(%dma_wait3A_65 : memref<8x1024xf32, #tpu.memory_space<hbm>>)
    %dma_wait3A_66 = arith.constant 0 : i32
    %dma_wait3A_67 = arith.constant 0 : i32
    %dma_wait3A_68 = arith.constant 0 : i32
    %dma_wait3A_69 = tpu.memref_slice %arg4[%dma_wait3A_66, %dma_wait3A_67, %dma_wait3A_68] : memref<4x8192x1024xf32, #tpu.memory_space<hbm>> -> memref<1x8x1024xf32, #tpu.memory_space<hbm>>
    %dma_wait3A_70 = tpu.memref_squeeze %dma_wait3A_69 : memref<1x8x1024xf32, #tpu.memory_space<hbm>> -> memref<8x1024xf32, #tpu.memory_space<hbm>>
    %dma_wait3A_71 = arith.constant 0 : i32
    %dma_wait3A_72 = arith.constant 0 : i32
    %dma_wait3A_73 = tpu.memref_slice %arg4[%dma_wait3A_66, %dma_wait3A_71, %dma_wait3A_72] : memref<4x8192x1024xf32, #tpu.memory_space<hbm>> -> memref<1x8x1024xf32, #tpu.memory_space<hbm>>
    %dma_wait3A_74 = tpu.memref_squeeze %dma_wait3A_73 : memref<1x8x1024xf32, #tpu.memory_space<hbm>> -> memref<8x1024xf32, #tpu.memory_space<hbm>>
    tpu.wait_dma2 semaphore(%arg30 : memref<!tpu.dma_semaphore, #tpu.memory_space<semaphore_mem>>) src(%arg13 : memref<8x1024xf32, #tpu.memory_space<vmem>>) dst(%dma_wait3A_74 : memref<8x1024xf32, #tpu.memory_space<hbm>>)
    %dma_wait3A_75 = arith.constant 0 : i32
    %dma_wait3A_76 = arith.constant 0 : i32
    %dma_wait3A_77 = arith.constant 0 : i32
    %dma_wait3A_78 = tpu.memref_slice %arg4[%dma_wait3A_75, %dma_wait3A_76, %dma_wait3A_77] : memref<4x8192x1024xf32, #tpu.memory_space<hbm>> -> memref<1x8x1024xf32, #tpu.memory_space<hbm>>
    %dma_wait3A_79 = tpu.memref_squeeze %dma_wait3A_78 : memref<1x8x1024xf32, #tpu.memory_space<hbm>> -> memref<8x1024xf32, #tpu.memory_space<hbm>>
    %dma_wait3A_80 = arith.constant 0 : i32
    %dma_wait3A_81 = arith.constant 0 : i32
    %dma_wait3A_82 = tpu.memref_slice %arg4[%dma_wait3A_75, %dma_wait3A_80, %dma_wait3A_81] : memref<4x8192x1024xf32, #tpu.memory_space<hbm>> -> memref<1x8x1024xf32, #tpu.memory_space<hbm>>
    %dma_wait3A_83 = tpu.memref_squeeze %dma_wait3A_82 : memref<1x8x1024xf32, #tpu.memory_space<hbm>> -> memref<8x1024xf32, #tpu.memory_space<hbm>>
    tpu.wait_dma2 semaphore(%arg31 : memref<!tpu.dma_semaphore, #tpu.memory_space<semaphore_mem>>) src(%arg14 : memref<8x1024xf32, #tpu.memory_space<vmem>>) dst(%dma_wait3A_83 : memref<8x1024xf32, #tpu.memory_space<hbm>>)
    return
  }
}

</mosaic_0001>

<sc_bundles>
// kernel: kernel.3.cloned.1.call-start
scs
__scs_entry_jumppad:
0x0: {  	(pc) =	sbr.rel $0x88, $3  }
0x1: {  	(tag) =	ssettag $0x0;
	lr =	simm.s32 $0x1  }
0x2: {  	[smem:$0x3F9F] =	sst lr;
	_ =	strace $0xD0000000  }
0x3: {  	_ = 	snop  }
0x4: {  	_ = 	snop  }
0x5: {  	_ = 	snop  }
0x6: {  	_ = 	snop  }
0x7: {  	_ = 	snop  }
__scs_overlays_trampoline_lowered:
0x8: {  	[smem:$0x3FAE] =	sst s0  }
0x9: {  	[smem:$0x3FAF] =	sst s1  }
0xa: {  	[smem:$0x3FB0] =	sst s2  }
0xb: {  	[smem:$0x3FB1] =	sst s3  }
0xc: {  	[smem:$0x3FB2] =	sst s4  }
0xd: {  	[smem:$0x3FB3] =	sst s5  }
0xe: {  	[smem:$0x3FB4] =	sst s6  }
0xf: {  	[smem:$0x3FB5] =	sst s7  }
0x10: {  	[smem:$0x3FB6] =	sst s8  }
0x11: {  	[smem:$0x3FB7] =	sst s9;
	s0 =	simm.s32 @!p0 $0x0  }
0x12: {  	s1 =	sld [smem:$0x3F9D];
	s0 =	simm.s32 @p0 $0x1  }
0x13: {  	[smem:$0x3FB8] =	sst s0;
	s0 =	simm.s32 @!p1 $0x0  }
0x14: {  	s2 =	sld [smem:$0x3F9C];
	s0 =	simm.s32 @p1 $0x1  }
0x15: {  	[smem:$0x3FB9] =	sst s0;
	s0 =	simm.s32 @!p2 $0x0  }
0x16: {  	s3 =	sld [smem:$0x3FDB];
	s0 =	simm.s32 @p2 $0x1  }
0x17: {  	s4 =	simm.s32 $0x1BF5;
	[smem:$0x3FBB] =	sst s0  }
0x18: {  	s0 =	sld [smem:$0x3F9E];
	_ =	swait.ge [sflag:s4], $0x0  }
0x19: {  	s7 =	sld [smem:$0x3F9F]  }
0x1a: {  	s8 =	sadd.s32 $0xFFFFE003, lr  }
0x1b: {  	s9 =	sadd.s32 $0xFFFFFEF7, lr;
	s5 =	simm.s32 $0xFFFFFFFF;
	p2 =	slt.u32 s8, $0xFFFFF086  }
0x1c: {  	p1 =	slt.u32 s9, $0xF7A;
	s5 =	simm.s32 @!p2 $0x0  }
0x1d: {  	s5 =	simm.s32 @p1 $0x1;
	p0 =	seq.s32 s7, s2  }
0x1e: {  	s7 =	smul.u32 @!p0 $0xF7A, s2;
	p2 =	seq.s32 @!p0 s5, $0x0  }
0x1f: {  	s9 =	smul.u32 $0xF7A, s1;
	s8 =	simm.s32 @!p0 $0x1BF5;
	p2 =	por !p2, p0  }
0x20: {  	[sflag:s8] =	ssyncset.s32 @!p0 $0xFFFFF086;
	s6 =	sadd.s32 @!p0 s3, s7;
	s7 =	simm.s32 @!p0 $0x108  }
0x21: {  	s3 =	sadd.s32 s3, s9;
	s6 =	sadd.s32 @!p0 $0x88, s6;
	s7 =	simm.s32 @p2 $0x1082  }
0x22: {  	[simem:s7], [sflag:s8] =	dma.local @!p0 [hbm:s6], $0xF7A  }
0x23: {  	s9 =	sor.u32 $0xD0000000, s2;
	s6 =	simm.s32 $0x108;
	_ =	swait.ge @!p0 [sflag:s8], $0x0  }
0x24: {  	s3 =	sadd.s32 $0x88, s3;
	s6 =	simm.s32 @!p1 $0x1082;
	[sflag:s4] =	ssyncset.s32 $0xFFFFF086  }
0x25: {  	[simem:s6], [sflag:s4] =	dma.local [hbm:s3], $0xF7A  }
0x26: {  	[smem:$0x3F9F] =	sst s1;
	(tag) =	ssettag s2;
	_ =	strace s9  }
0x27: {  	s1 =	sld [smem:$0x3FAF]  }
0x28: {  	s2 =	sld [smem:$0x3FB0]  }
0x29: {  	s4 =	sld [smem:$0x3FB2]  }
0x2a: {  	p0 =	seq.s32 s5, $0x0;
	s5 =	sld [smem:$0x3FB3]  }
0x2b: {  	s6 =	sld [smem:$0x3FB4]  }
0x2c: {  	s7 =	sld [smem:$0x3FB5]  }
0x2d: {  	s3 =	simm.s32 $0x108;
	s8 =	sld [smem:$0x3FB6]  }
0x2e: {  	s3 =	simm.s32 @!p0 $0x1082;
	s9 =	sld [smem:$0x3FB7]  }
0x2f: {  	lr =	sadd.s32 s0, s3;
	s0 =	sld [smem:$0x3FAE]  }
0x30: {  	s3 =	sld [smem:$0x3FB1]  }
0x31: {  	[smem:$0x3FBA] =	sst s10  }
0x32: {  	s10 =	sld [smem:$0x3FB8];
	_ =	sdelay $0x3  }
0x33: {  	p0 =	seq.s32 s10, $0x1;
	s10 =	sld [smem:$0x3FBA];
	_ =	sdelay $0x3  }
0x34: {  	[smem:$0x3FBA] =	sst s10  }
0x35: {  	s10 =	sld [smem:$0x3FB9];
	_ =	sdelay $0x3  }
0x36: {  	p1 =	seq.s32 s10, $0x1;
	s10 =	sld [smem:$0x3FBA];
	_ =	sdelay $0x3  }
0x37: {  	[smem:$0x3FBA] =	sst s10  }
0x38: {  	s10 =	sld [smem:$0x3FBB]  }
0x39: {  	_ = 	snop;
	(pc) =	sbr.ind lr, $3  }
0x3a: {  	_ = 	snop  }
0x3b: {  	_ = 	snop  }
0x3c: {  	p2 =	seq.s32 s10, $0x1;
	s10 =	sld [smem:$0x3FBA]  }
0x3d: {  	_ =	shalt  }
0x3e: {  	_ =	shalt  }
0x3f: {  	_ =	shalt  }
0x40: {  	_ =	shalt  }
0x41: {  	_ =	shalt  }
0x42: {  	_ =	shalt  }
0x43: {  	_ =	shalt  }
0x44: {  	_ =	shalt  }
0x45: {  	_ =	shalt  }
0x46: {  	_ =	shalt  }
0x47: {  	_ =	shalt  }
0x48: {  	_ =	shalt  }
0x49: {  	_ =	shalt  }
0x4a: {  	_ =	shalt  }
0x4b: {  	_ =	shalt  }
0x4c: {  	_ =	shalt  }
0x4d: {  	_ =	shalt  }
0x4e: {  	_ =	shalt  }
0x4f: {  	_ =	shalt  }
0x50: {  	_ =	shalt  }
0x51: {  	_ =	shalt  }
0x52: {  	_ =	shalt  }
0x53: {  	_ =	shalt  }
0x54: {  	_ =	shalt  }
0x55: {  	_ =	shalt  }
0x56: {  	_ =	shalt  }
0x57: {  	_ =	shalt  }
0x58: {  	_ =	shalt  }
0x59: {  	_ =	shalt  }
0x5a: {  	_ =	shalt  }
0x5b: {  	_ =	shalt  }
0x5c: {  	_ =	shalt  }
0x5d: {  	_ =	shalt  }
0x5e: {  	_ =	shalt  }
0x5f: {  	_ =	shalt  }
0x60: {  	_ =	shalt  }
0x61: {  	_ =	shalt  }
0x62: {  	_ =	shalt  }
0x63: {  	_ =	shalt  }
0x64: {  	_ =	shalt  }
0x65: {  	_ =	shalt  }
0x66: {  	_ =	shalt  }
0x67: {  	_ =	shalt  }
0x68: {  	_ =	shalt  }
0x69: {  	_ =	shalt  }
0x6a: {  	_ =	shalt  }
0x6b: {  	_ =	shalt  }
0x6c: {  	_ =	shalt  }
0x6d: {  	_ =	shalt  }
0x6e: {  	_ =	shalt  }
0x6f: {  	_ =	shalt  }
0x70: {  	_ =	shalt  }
0x71: {  	_ =	shalt  }
0x72: {  	_ =	shalt  }
0x73: {  	_ =	shalt  }
0x74: {  	_ =	shalt  }
0x75: {  	_ =	shalt  }
0x76: {  	_ =	shalt  }
0x77: {  	_ =	shalt  }
0x78: {  	_ =	shalt  }
0x79: {  	_ =	shalt  }
0x7a: {  	_ =	shalt  }
0x7b: {  	_ =	shalt  }
0x7c: {  	_ =	shalt  }
0x7d: {  	_ =	shalt  }
0x7e: {  	_ =	shalt  }
0x7f: {  	_ =	shalt  }
0x80: {  	_ =	shalt  }
0x81: {  	_ =	shalt  }
0x82: {  	_ =	shalt  }
0x83: {  	_ =	shalt  }
0x84: {  	_ =	shalt  }
0x85: {  	_ =	shalt  }
0x86: {  	_ =	shalt  }
0x87: {  	_ =	shalt  }
.Lfunc_end0:
.L_simem_size_0:
called_computation_lowered:
.L_overlay_start_0:
0x88: {  	s2 =	sld [smem:$0x3FD9]  }
0x89: {  	s3 =	sld [smem:$0x3FFE];
	_ =	sdelay $0x1  }
0x8a: {  	s1 =	srdreg.scid  }
0x8b: {  	s0 =	sand.u32 $0x1, s1  }
0x8c: {  	s18 =	sshll.u32 s0, $0xA;
	s2 =	sadd.s32 s3, s2  }
0x8d: {  	s2 =	sadd.s32 s2, s18  }
0x8e: {  	[smem:$0x3FC6] =	sst s2  }
0x8f: {  	_ = 	snop  }
0x90: {  	s2 =	sld [smem:$0x3FC9]  }
0x91: {  	s19 =	sld [smem:$0x3FC8]  }
0x92: {  	s4 =	sld [smem:$0x3FD0];
	(tm) =	ssettm $0x1  }
0x93: {  	s5 =	sld [smem:$0x3FFB];
	_ =	sdelay $0x3  }
0x94: {  	_ =	strace s5  }
0x95: {  	s5 =	sld [smem:$0x3FFC];
	_ =	sdelay $0x3  }
0x96: {  	_ =	strace s5  }
0x97: {  	s5 =	sld [smem:$0x3FFD];
	_ =	sdelay $0x3  }
0x98: {  	_ =	strace s5  }
0x99: {  	_ =	strace $0x8FFFFFFF  }
0x9a: {  	s20 =	sld [smem:$0x3FDB];
	_ =	sdelay $0x1  }
0x9b: {  	s6 =	simm.s32 $_scs_section_size  }
0x9c: {  	s7 =	simm.s32 $_size__tile_overlayer_lowered;
	s8 =	simm.s32 $_tile_overlayer_lowered  }
0x9d: {  	s23 =	simm.s32 $0x1BFF;
	s22 =	sshll.u32 s8, $0x1;
	s5 =	sadd.s32 s6, s20  }
0x9e: {  	s9 =	simm.s32 $0x0;
	s21 =	sshll.u32 s7, $0x1;
	s7 =	sadd.s32 s22, s5  }
0x9f: {  	[timem:s9], [sflag:s23] =	dma.local [hbm:s7], s21  }
0xa0: {  	_ =	swait.ge [sflag:s23], s21  }
0xa1: {  	s6 =	ssub.s32 $0x0, s21;
	[sflag:s23] =	ssyncset.done $0x0  }
0xa2: {  	[sflag:s23] =	ssyncadd.s32 s6;
	_ =	sdelay $0x1  }
0xa3: {  	s24 =	simm.s32 $0x1B8B  }
0xa4: {  	_ =	swait.ge [sflag:s24], $0x1  }
0xa5: {  	[sflag:s24] =	ssyncset.done $0x0  }
0xa6: {  	s25 =	simm.s32 $0x1B8E;
	[sflag:s24] =	ssyncadd.s32 $0xFFFFFFFF  }
0xa7: {  	s26 =	simm.s32 $execute0_lowered;
	[smem:$0x3FD2] =	sst s25  }
0xa8: {  	s6 =	sshll.u32 s26, $0x1;
	_ =	strace $0x80000046;
	[dreg:$0x1] =	wrdreg $0xFFFFFFFF  }
0xa9: {  	s28 =	simm.s32 $_size_execute0_lowered;
	s5 =	sadd.s32 s5, s6;
	[dreg:$0x0] =	wrdreg $0x0  }
0xaa: {  	s6 =	sshll.u32 s28, $0x1;
	[dreg:$0x2] =	wrdreg s5  }
0xab: {  	[dreg:$0x3] =	wrdreg s6  }
0xac: {  	[dreg:$0x4] =	wrdreg $0xC0  }
0xad: {  	_ =	task [dreg:s9], $0x5FFFF  }
0xae: {  	[dreg:$0x1] =	wrdreg $0xFFFFFFFF  }
0xaf: {  	[dreg:$0x0] =	wrdreg $0x60  }
0xb0: {  	[dreg:$0x2] =	wrdreg s2  }
0xb1: {  	[dreg:$0x3] =	wrdreg s19  }
0xb2: {  	[dreg:$0x4] =	wrdreg s4  }
0xb3: {  	[dreg:$0x5] =	wrdreg $0x9  }
0xb4: {  	_ =	task.clear_ibuf [dreg:s9], $0x6FFFF;
	_ =	strace $0x90000046  }
0xb5: {  	s29 =	simm.s32 $0x9;
	_ =	strace $0x80000048  }
0xb6: {  	_ =	swait.ge [sflag:s29], $0x1  }
0xb7: {  	[sflag:s29] =	ssyncadd.s32 $0xFFFFFFFF  }
0xb8: {  	_ =	strace $0x90000048  }
0xb9: {  	_ =	sfence  }
0xba: {  	s30 =	sld [smem:$0x0];
	_ =	sdelay $0x2  }
0xbb: {  	s31 =	sshll.u32 s1, $0xD;
	s1 =	sshrl.u32 s1, $0x2  }
0xbc: {  	s3 =	sand.u32 $0x4000, s31;
	s1 =	sadd.s32 s1, s30  }
0xbd: {  	s0 =	sor.u32 s3, s0;
	s1 =	sshll.u32 s1, $0x11  }
0xbe: {  	s0 =	sor.u32 s1, s0  }
0xbf: {  	s0 =	sadd.s32 $0x8F2B, s0  }
0xc0: {  	[sflag:s0] =	ssyncadd.remote.s32 $0x1  }
0xc1: {  	_ =	sfence.sel $0xFFFF  }
0xc2: {  	[dreg:$0x0] =	wrdreg $0xFFFFFFFF;
	(pc) =	sbr.abs _section_cstart, $3  }
0xc3: {  	[dreg:$0x1] =	wrdreg $0xFFFFFFFF  }
0xc4: {  	_ =	task.clear_ibuf [dreg:s9], $0x2FFFF;
	_ =	strace $0x9FFFFFFF  }
0xc5: {  	(tm) =	ssettm $0x7FFFFFFF  }
tec
execute0_lowered:
.L_overlay_start_1:
0x0: {  	(tag) =	ssettag $0x1  }
0x1: {  	s1 =	rddreg [dreg:$0x0]  }
0x2: {  	s19 =	rddreg [dreg:$0x1]  }
0x3: {  	s4 =	rddreg [dreg:$0x2]  }
0x4: {  	s0 =	srdreg.scid;
	s2 =	stileid.u32;
	s5 =	simm.s32 $0x0  }
0x5: {  	s28 =	simm.s32 $0x2;
	s29 =	simm.s32 $0xC000;
	s30 =	simm.s32 $0x3  }
0x6: {  	s31 =	simm.s32 $0xE000;
	[smem:$0x7FF] =	sst s5;
	s20 =	sadd.s32 $0x100000, s1  }
0x7: {  	s7 =	sadd.s32 $0x200000, s1;
	_ =	strace $0x80000047;
	[dreg:$0x8] =	wrdreg s20  }
0x8: {  	s9 =	simm.s32 $0x12000;
	s8 =	sadd.s32 $0x300000, s1;
	[dreg:$0x9] =	wrdreg s7  }
0x9: {  	s0 =	sand.u32 $0x1, s0;
	s23 =	sadd.s32 $0x100000, s4;
	[dreg:$0xa] =	wrdreg s8  }
0xa: {  	s2 =	sshll.u32 s2, $0x9;
	s24 =	sadd.s32 $0x200000, s4;
	[dreg:$0xe] =	wrdreg s23  }
0xb: {  	s25 =	sadd.s32 $0x300000, s4;
	s3 =	sshll.u32 s0, $0x8;
	[dreg:$0xf] =	wrdreg s24  }
0xc: {  	s13 =	simm.s32 $0x7;
	[dreg:$0x10] =	wrdreg s25;
	s3 =	sor.u32 s3, s2  }
0xd: {  	s14 =	simm.s32 $0xB;
	s6 =	sshll.u32 s3, $0x7;
	[dreg:$0x4] =	wrdreg s3  }
0xe: {  	s15 =	simm.s32 $0x8;
	s26 =	sor.u32 $0x10, s3;
	[dreg:$0x5] =	wrdreg s6  }
0xf: {  	s0 =	ssub.s32 $0x2, s0;
	s17 =	sadd.s32 s19, s6;
	[dreg:$0x11] =	wrdreg s26  }
0x10: {  	s25 =	simm.s32 $0x1;
	s18 =	sadd.s32 s1, s6;
	[dreg:$0x6] =	wrdreg s17  }
0x11: {  	s16 =	sshrl.u32 s0, $0x1;
	s2 =	sadd.s32 s6, s20;
	[dreg:$0x7] =	wrdreg s18  }
0x12: {  	s0 =	ssub.s32 s0, s16;
	s21 =	sadd.s32 s6, s7;
	[dreg:$0xb] =	wrdreg s2  }
0x13: {  	s22 =	sadd.s32 s6, s8;
	s0 =	smax.u32 s0, $0x1;
	[dreg:$0xc] =	wrdreg s21  }
0x14: {  	s8 =	simm.s32 $0x5;
	s20 =	simm.s32 $0xC;
	[dreg:$0xd] =	wrdreg s22  }
0x15: {  	s26 =	simm.s32 $0x9;
	s7 =	simm.s32 $0x0;
	[dreg:$0x12] =	wrdreg s0  }
0x16: {  	s0 =	simm.s32 $0x4;
	s2 =	simm.s32 $0x10000;
	s21 =	simm.s32 $0xD  }
.LBB2_1:
0x17: {  	[dreg:$0x13] =	wrdreg s7  }
0x18: {  	s3 =	rddreg [dreg:$0x6]  }
0x19: {  	[tilespmem:s5], [sflag:$0x1] =	stream.linear.gather [hbm4b:s3+s5], $0x2000, $0x38;
	[tilespmem:$0x14000] =	vst v63  }
0x1a: {  	s12 =	rddreg [dreg:$0x7];
	s6 =	simm.s32 $0x4000  }
0x1b: {  	[tilespmem:s6], [sflag:$0x2] =	stream.linear.gather [hbm4b:s12+s5], $0x2000, $0x38;
	[tilespmem:$0x14000] =	vst v63  }
0x1c: {  	s16 =	rddreg [dreg:$0xb];
	s17 =	simm.s32 $0x6000  }
0x1d: {  	[tilespmem:s17], [sflag:$0x3] =	stream.linear.gather [hbm4b:s16+s5], $0x2000, $0x38;
	[tilespmem:$0x14000] =	vst v63  }
0x1e: {  	s18 =	rddreg [dreg:$0xc];
	s22 =	simm.s32 $0x8000  }
0x1f: {  	[tilespmem:s22], [sflag:$0x4] =	stream.linear.gather [hbm4b:s18+s5], $0x2000, $0x38;
	[tilespmem:$0x14000] =	vst v63  }
0x20: {  	s23 =	rddreg [dreg:$0xd];
	s24 =	simm.s32 $0xA000;
	s22 =	simm.s32 $0x0  }
0x21: {  	[tilespmem:s24], [sflag:$0x5] =	stream.linear.gather [hbm4b:s23+s5], $0x2000, $0x38;
	[tilespmem:$0x14000] =	vst v63  }
.LBB2_2:
0x22: {  	s7 =	sshll.u32 s22, $0x4;
	s3 =	rddreg [dreg:$0x4]  }
0x23: {  	s3 =	sor.u32 s7, s3  }
0x24: {  	_ =	swait.ge [sflag:s25], $0x2000;
	s6 =	sshll.u32 s3, $0x7  }
0x25: {  	[sflag:s25] =	ssyncset.done $0x0;
	s23 =	sor.u32 $0x400, s6  }
0x26: {  	s10 =	simm.s32 $0x2000;
	[sflag:s25] =	ssyncadd.s32 $0xFFFFE000;
	s18 =	sadd.s32 s19, s23  }
0x27: {  	[tilespmem:s10], [sflag:$0x1] =	stream.linear.gather [hbm4b:s18+s5], $0x2000, $0x38;
	[tilespmem:$0x14000] =	vst v63  }
0x28: {  	_ =	swait.ge [sflag:s28], $0x2000  }
0x29: {  	p0 =	seq.s32 s22, $0x0;
	[sflag:s28] =	ssyncset.done $0x0  }
0x2a: {  	s3 =	simm.s32 @!p0 $0xE;
	[sflag:s28] =	ssyncadd.s32 $0xFFFFE000  }
0x2b: {  	_ =	swait.ge @!p0 [sflag:s3], $0x2000  }
0x2c: {  	s24 =	sadd.s32 s1, s23;
	[sflag:s3] =	ssyncset.done @!p0 $0x0  }
0x2d: {  	s10 =	simm.s32 $0x0;
	[sflag:s3] =	ssyncadd.s32 @!p0 $0xFFFFE000;
	s3 =	simm.s32 $0x0  }
0x2e: {  	[tilespmem:s29], [sflag:$0x6] =	stream.linear.gather [hbm4b:s24+s3], $0x2000, $0x38;
	[tilespmem:$0x14000] =	vst v63  }
.LBB2_3:
0x2f: {  	s11 =	sshra.s32 s3, $0x2  }
0x30: {  	v0 =	vld [tilespmem:s11+$0x70]  }
0x31: {  	v1 =	vld [tilespmem:s11+$0x0]  }
0x32: {  	v2 =	vld [tilespmem:s11+$0x10]  }
0x33: {  	v3 =	vld [tilespmem:s11+$0x20]  }
0x34: {  	v4 =	vld [tilespmem:s11+$0x30]  }
0x35: {  	v5 =	vld [tilespmem:s11+$0x40]  }
0x36: {  	v6 =	vld [tilespmem:s11+$0x50]  }
0x37: {  	[tilespmem:s11+$0x4070] =	vst.add.f32.msk $0xffff, v0  }
0x38: {  	v0 =	vld [tilespmem:s11+$0x60]  }
0x39: {  	[tilespmem:s11+$0x4000] =	vst.add.f32.msk $0xffff, v1  }
0x3a: {  	[tilespmem:s11+$0x4010] =	vst.add.f32.msk $0xffff, v2  }
0x3b: {  	[tilespmem:s11+$0x4020] =	vst.add.f32.msk $0xffff, v3  }
0x3c: {  	[tilespmem:s11+$0x4030] =	vst.add.f32.msk $0xffff, v4  }
0x3d: {  	[tilespmem:s11+$0x4040] =	vst.add.f32.msk $0xffff, v5  }
0x3e: {  	s12 =	simm.s32 $0x0;
	s16 =	sadd.s32 $0x1000, s3;
	[tilespmem:s11+$0x4050] =	vst.add.f32.msk $0xffff, v6  }
.LBB2_4:
0x3f: {  	s12 =	sadd.s32 $0x8, s12;
	[tilespmem:s11+$0x4060] =	vst.add.f32.msk $0xffff, v0;
	s11 =	sshra.s32 s16, $0x2  }
0x40: {  	v0 =	vld [tilespmem:s11+$0x70];
	p1 =	slt.u32 s12, $0x38  }
0x41: {  	v1 =	vld [tilespmem:s11+$0x0]  }
0x42: {  	v2 =	vld [tilespmem:s11+$0x10]  }
0x43: {  	v3 =	vld [tilespmem:s11+$0x20]  }
0x44: {  	v4 =	vld [tilespmem:s11+$0x30]  }
0x45: {  	[tilespmem:s11+$0x4070] =	vst.add.f32.msk $0xffff, v0  }
0x46: {  	v5 =	vld [tilespmem:s11+$0x40]  }
0x47: {  	v6 =	vld [tilespmem:s11+$0x50]  }
0x48: {  	v0 =	vld [tilespmem:s11+$0x60]  }
0x49: {  	[tilespmem:s11+$0x4000] =	vst.add.f32.msk $0xffff, v1  }
.Ltmp0:
0x4a: {  	[tilespmem:s11+$0x4010] =	vst.add.f32.msk $0xffff, v2;
	(pc) =	sbr.rel @p1 .LBB2_4-.Ltmp0, $4  }
0x4b: {  	[tilespmem:s11+$0x4020] =	vst.add.f32.msk $0xffff, v3  }
0x4c: {  	[tilespmem:s11+$0x4030] =	vst.add.f32.msk $0xffff, v4  }
0x4d: {  	[tilespmem:s11+$0x4040] =	vst.add.f32.msk $0xffff, v5  }
0x4e: {  	s16 =	sadd.s32 $0x1000, s16;
	[tilespmem:s11+$0x4050] =	vst.add.f32.msk $0xffff, v6  }
0x4f: {  	s10 =	sadd.s32 $0x1, s10  }
0x50: {  	p1 =	sne.s32 s10, $0x8  }
.Ltmp1:
0x51: {  	_ = 	snop;
	(pc) =	sbr.rel @p1 .LBB2_3-.Ltmp1, $2  }
0x52: {  	_ =	sdelay $0x2  }
0x53: {  	[tilespmem:s11+$0x4060] =	vst.add.f32.msk $0xffff, v0;
	s3 =	sadd.s32 $0x200, s3  }
0x54: {  	s3 =	sshll.u32 s22, $0xB;
	s10 =	rddreg [dreg:$0x5]  }
0x55: {  	s10 =	sadd.s32 s10, s3  }
0x56: {  	s11 =	simm.s32 $0x4000;
	s3 =	sadd.s32 s4, s10  }
0x57: {  	[hbm4b:s3+s5] =	stream.linear.scatter [tilespmem:s11], [sflag:$0xA], $0x2000, $0x38;
	[tilespmem:$0x14000] =	vst v63  }
0x58: {  	_ =	swait.ge [sflag:s30], $0x2000  }
0x59: {  	[sflag:s30] =	ssyncset.done $0x0  }
0x5a: {  	s3 =	simm.s32 @!p0 $0xF;
	[sflag:s30] =	ssyncadd.s32 $0xFFFFE000  }
0x5b: {  	s24 =	sor.u32 $0x100400, s6;
	_ =	swait.ge @!p0 [sflag:s3], $0x2000  }
0x5c: {  	s18 =	sadd.s32 s1, s24;
	[sflag:s3] =	ssyncset.done @!p0 $0x0  }
0x5d: {  	s11 =	simm.s32 $0x0;
	[sflag:s3] =	ssyncadd.s32 @!p0 $0xFFFFE000;
	s3 =	simm.s32 $0x0  }
0x5e: {  	[tilespmem:s31], [sflag:$0x7] =	stream.linear.gather [hbm4b:s18+s3], $0x2000, $0x38;
	[tilespmem:$0x14000] =	vst v63  }
.LBB2_7:
0x5f: {  	s12 =	sshra.s32 s3, $0x2  }
0x60: {  	v0 =	vld [tilespmem:s12+$0x70]  }
0x61: {  	v1 =	vld [tilespmem:s12+$0x0]  }
0x62: {  	v2 =	vld [tilespmem:s12+$0x10]  }
0x63: {  	v3 =	vld [tilespmem:s12+$0x20]  }
0x64: {  	v4 =	vld [tilespmem:s12+$0x30]  }
0x65: {  	v5 =	vld [tilespmem:s12+$0x40]  }
0x66: {  	v6 =	vld [tilespmem:s12+$0x50]  }
0x67: {  	[tilespmem:s12+$0x6070] =	vst.add.f32.msk $0xffff, v0  }
0x68: {  	v0 =	vld [tilespmem:s12+$0x60]  }
0x69: {  	[tilespmem:s12+$0x6000] =	vst.add.f32.msk $0xffff, v1  }
0x6a: {  	[tilespmem:s12+$0x6010] =	vst.add.f32.msk $0xffff, v2  }
0x6b: {  	[tilespmem:s12+$0x6020] =	vst.add.f32.msk $0xffff, v3  }
0x6c: {  	[tilespmem:s12+$0x6030] =	vst.add.f32.msk $0xffff, v4  }
0x6d: {  	[tilespmem:s12+$0x6040] =	vst.add.f32.msk $0xffff, v5  }
0x6e: {  	s16 =	simm.s32 $0x0;
	s17 =	sadd.s32 $0x1000, s3;
	[tilespmem:s12+$0x6050] =	vst.add.f32.msk $0xffff, v6  }
.LBB2_8:
0x6f: {  	s16 =	sadd.s32 $0x8, s16;
	[tilespmem:s12+$0x6060] =	vst.add.f32.msk $0xffff, v0;
	s12 =	sshra.s32 s17, $0x2  }
0x70: {  	v0 =	vld [tilespmem:s12+$0x70];
	p1 =	slt.u32 s16, $0x38  }
0x71: {  	v1 =	vld [tilespmem:s12+$0x0]  }
0x72: {  	v2 =	vld [tilespmem:s12+$0x10]  }
0x73: {  	v3 =	vld [tilespmem:s12+$0x20]  }
0x74: {  	v4 =	vld [tilespmem:s12+$0x30]  }
0x75: {  	[tilespmem:s12+$0x6070] =	vst.add.f32.msk $0xffff, v0  }
0x76: {  	v5 =	vld [tilespmem:s12+$0x40]  }
0x77: {  	v6 =	vld [tilespmem:s12+$0x50]  }
0x78: {  	v0 =	vld [tilespmem:s12+$0x60]  }
0x79: {  	[tilespmem:s12+$0x6000] =	vst.add.f32.msk $0xffff, v1  }
.Ltmp2:
0x7a: {  	[tilespmem:s12+$0x6010] =	vst.add.f32.msk $0xffff, v2;
	(pc) =	sbr.rel @p1 .LBB2_8-.Ltmp2, $4  }
0x7b: {  	[tilespmem:s12+$0x6020] =	vst.add.f32.msk $0xffff, v3  }
0x7c: {  	[tilespmem:s12+$0x6030] =	vst.add.f32.msk $0xffff, v4  }
0x7d: {  	[tilespmem:s12+$0x6040] =	vst.add.f32.msk $0xffff, v5  }
0x7e: {  	s17 =	sadd.s32 $0x1000, s17;
	[tilespmem:s12+$0x6050] =	vst.add.f32.msk $0xffff, v6  }
0x7f: {  	s11 =	sadd.s32 $0x1, s11  }
0x80: {  	p1 =	sne.s32 s11, $0x8  }
.Ltmp3:
0x81: {  	_ = 	snop;
	(pc) =	sbr.rel @p1 .LBB2_7-.Ltmp3, $2  }
0x82: {  	_ =	sdelay $0x2  }
0x83: {  	[tilespmem:s12+$0x6060] =	vst.add.f32.msk $0xffff, v0;
	s3 =	sadd.s32 $0x200, s3  }
0x84: {  	s3 =	rddreg [dreg:$0xe]  }
0x85: {  	s11 =	simm.s32 $0x6000;
	s3 =	sadd.s32 s10, s3  }
0x86: {  	[hbm4b:s3+s5] =	stream.linear.scatter [tilespmem:s11], [sflag:$0xB], $0x2000, $0x38;
	[tilespmem:$0x14000] =	vst v63  }
0x87: {  	_ =	swait.ge [sflag:s0], $0x2000  }
0x88: {  	[sflag:s0] =	ssyncset.done $0x0  }
0x89: {  	s11 =	simm.s32 @!p0 $0x10;
	[sflag:s0] =	ssyncadd.s32 $0xFFFFE000  }
0x8a: {  	_ =	swait.ge @!p0 [sflag:s11], $0x2000  }
0x8b: {  	s3 =	sor.u32 $0x200400, s6;
	[sflag:s11] =	ssyncset.done @!p0 $0x0  }
0x8c: {  	s12 =	sadd.s32 s1, s3;
	[sflag:s11] =	ssyncadd.s32 @!p0 $0xFFFFE000;
	s11 =	simm.s32 $0x0  }
0x8d: {  	[tilespmem:s2], [sflag:$0x8] =	stream.linear.gather [hbm4b:s12+s11], $0x2000, $0x38;
	[tilespmem:$0x14000] =	vst v63  }
0x8e: {  	s12 =	simm.s32 $0x0  }
.LBB2_11:
0x8f: {  	s16 =	sshra.s32 s11, $0x2  }
0x90: {  	v0 =	vld [tilespmem:s16+$0x70]  }
0x91: {  	v1 =	vld [tilespmem:s16+$0x0]  }
0x92: {  	v2 =	vld [tilespmem:s16+$0x10]  }
0x93: {  	v3 =	vld [tilespmem:s16+$0x20]  }
0x94: {  	v4 =	vld [tilespmem:s16+$0x30]  }
0x95: {  	v5 =	vld [tilespmem:s16+$0x40]  }
0x96: {  	v6 =	vld [tilespmem:s16+$0x50]  }
0x97: {  	[tilespmem:s16+$0x8070] =	vst.add.f32.msk $0xffff, v0  }
0x98: {  	v0 =	vld [tilespmem:s16+$0x60]  }
0x99: {  	[tilespmem:s16+$0x8000] =	vst.add.f32.msk $0xffff, v1  }
0x9a: {  	[tilespmem:s16+$0x8010] =	vst.add.f32.msk $0xffff, v2  }
0x9b: {  	[tilespmem:s16+$0x8020] =	vst.add.f32.msk $0xffff, v3  }
0x9c: {  	[tilespmem:s16+$0x8030] =	vst.add.f32.msk $0xffff, v4  }
0x9d: {  	[tilespmem:s16+$0x8040] =	vst.add.f32.msk $0xffff, v5  }
0x9e: {  	s17 =	simm.s32 $0x0;
	s18 =	sadd.s32 $0x1000, s11;
	[tilespmem:s16+$0x8050] =	vst.add.f32.msk $0xffff, v6  }
.LBB2_12:
0x9f: {  	s17 =	sadd.s32 $0x8, s17;
	[tilespmem:s16+$0x8060] =	vst.add.f32.msk $0xffff, v0;
	s16 =	sshra.s32 s18, $0x2  }
0xa0: {  	v0 =	vld [tilespmem:s16+$0x70];
	p1 =	slt.u32 s17, $0x38  }
0xa1: {  	v1 =	vld [tilespmem:s16+$0x0]  }
0xa2: {  	v2 =	vld [tilespmem:s16+$0x10]  }
0xa3: {  	v3 =	vld [tilespmem:s16+$0x20]  }
0xa4: {  	v4 =	vld [tilespmem:s16+$0x30]  }
0xa5: {  	[tilespmem:s16+$0x8070] =	vst.add.f32.msk $0xffff, v0  }
0xa6: {  	v5 =	vld [tilespmem:s16+$0x40]  }
0xa7: {  	v6 =	vld [tilespmem:s16+$0x50]  }
0xa8: {  	v0 =	vld [tilespmem:s16+$0x60]  }
0xa9: {  	[tilespmem:s16+$0x8000] =	vst.add.f32.msk $0xffff, v1  }
.Ltmp4:
0xaa: {  	[tilespmem:s16+$0x8010] =	vst.add.f32.msk $0xffff, v2;
	(pc) =	sbr.rel @p1 .LBB2_12-.Ltmp4, $4  }
0xab: {  	[tilespmem:s16+$0x8020] =	vst.add.f32.msk $0xffff, v3  }
0xac: {  	[tilespmem:s16+$0x8030] =	vst.add.f32.msk $0xffff, v4  }
0xad: {  	[tilespmem:s16+$0x8040] =	vst.add.f32.msk $0xffff, v5  }
0xae: {  	s18 =	sadd.s32 $0x1000, s18;
	[tilespmem:s16+$0x8050] =	vst.add.f32.msk $0xffff, v6  }
0xaf: {  	s12 =	sadd.s32 $0x1, s12  }
0xb0: {  	p1 =	sne.s32 s12, $0x8  }
.Ltmp5:
0xb1: {  	_ = 	snop;
	(pc) =	sbr.rel @p1 .LBB2_11-.Ltmp5, $2  }
0xb2: {  	_ =	sdelay $0x2  }
0xb3: {  	[tilespmem:s16+$0x8060] =	vst.add.f32.msk $0xffff, v0;
	s11 =	sadd.s32 $0x200, s11  }
0xb4: {  	s11 =	rddreg [dreg:$0xf]  }
0xb5: {  	s12 =	simm.s32 $0x8000;
	s11 =	sadd.s32 s10, s11  }
0xb6: {  	[hbm4b:s11+s5] =	stream.linear.scatter [tilespmem:s12], [sflag:$0xC], $0x2000, $0x38;
	[tilespmem:$0x14000] =	vst v63  }
0xb7: {  	_ =	swait.ge [sflag:s8], $0x2000  }
0xb8: {  	[sflag:s8] =	ssyncset.done $0x0  }
0xb9: {  	s11 =	simm.s32 @!p0 $0x11;
	[sflag:s8] =	ssyncadd.s32 $0xFFFFE000  }
0xba: {  	s6 =	sor.u32 $0x300400, s6;
	_ =	swait.ge @!p0 [sflag:s11], $0x2000  }
0xbb: {  	s18 =	sadd.s32 s1, s6;
	[sflag:s11] =	ssyncset.done @!p0 $0x0  }
0xbc: {  	s12 =	simm.s32 $0x0;
	[sflag:s11] =	ssyncadd.s32 @!p0 $0xFFFFE000;
	s11 =	simm.s32 $0x0  }
0xbd: {  	[tilespmem:s9], [sflag:$0x9] =	stream.linear.gather [hbm4b:s18+s11], $0x2000, $0x38;
	[tilespmem:$0x14000] =	vst v63  }
.LBB2_15:
0xbe: {  	s16 =	sshra.s32 s11, $0x2  }
0xbf: {  	v0 =	vld [tilespmem:s16+$0x70]  }
0xc0: {  	v1 =	vld [tilespmem:s16+$0x0]  }
0xc1: {  	v2 =	vld [tilespmem:s16+$0x10]  }
0xc2: {  	v3 =	vld [tilespmem:s16+$0x20]  }
0xc3: {  	v4 =	vld [tilespmem:s16+$0x30]  }
0xc4: {  	v5 =	vld [tilespmem:s16+$0x40]  }
0xc5: {  	v6 =	vld [tilespmem:s16+$0x50]  }
0xc6: {  	[tilespmem:s16+$0xA070] =	vst.add.f32.msk $0xffff, v0  }
0xc7: {  	v0 =	vld [tilespmem:s16+$0x60]  }
0xc8: {  	[tilespmem:s16+$0xA000] =	vst.add.f32.msk $0xffff, v1  }
0xc9: {  	[tilespmem:s16+$0xA010] =	vst.add.f32.msk $0xffff, v2  }
0xca: {  	[tilespmem:s16+$0xA020] =	vst.add.f32.msk $0xffff, v3  }
0xcb: {  	[tilespmem:s16+$0xA030] =	vst.add.f32.msk $0xffff, v4  }
0xcc: {  	[tilespmem:s16+$0xA040] =	vst.add.f32.msk $0xffff, v5  }
0xcd: {  	s17 =	simm.s32 $0x0;
	s18 =	sadd.s32 $0x1000, s11;
	[tilespmem:s16+$0xA050] =	vst.add.f32.msk $0xffff, v6  }
.LBB2_16:
0xce: {  	s17 =	sadd.s32 $0x8, s17;
	[tilespmem:s16+$0xA060] =	vst.add.f32.msk $0xffff, v0;
	s16 =	sshra.s32 s18, $0x2  }
0xcf: {  	v0 =	vld [tilespmem:s16+$0x70];
	p0 =	slt.u32 s17, $0x38  }
0xd0: {  	v1 =	vld [tilespmem:s16+$0x0]  }
0xd1: {  	v2 =	vld [tilespmem:s16+$0x10]  }
0xd2: {  	v3 =	vld [tilespmem:s16+$0x20]  }
0xd3: {  	v4 =	vld [tilespmem:s16+$0x30]  }
0xd4: {  	[tilespmem:s16+$0xA070] =	vst.add.f32.msk $0xffff, v0  }
0xd5: {  	v5 =	vld [tilespmem:s16+$0x40]  }
0xd6: {  	v6 =	vld [tilespmem:s16+$0x50]  }
0xd7: {  	v0 =	vld [tilespmem:s16+$0x60]  }
0xd8: {  	[tilespmem:s16+$0xA000] =	vst.add.f32.msk $0xffff, v1  }
.Ltmp6:
0xd9: {  	[tilespmem:s16+$0xA010] =	vst.add.f32.msk $0xffff, v2;
	(pc) =	sbr.rel @p0 .LBB2_16-.Ltmp6, $4  }
0xda: {  	[tilespmem:s16+$0xA020] =	vst.add.f32.msk $0xffff, v3  }
0xdb: {  	[tilespmem:s16+$0xA030] =	vst.add.f32.msk $0xffff, v4  }
0xdc: {  	[tilespmem:s16+$0xA040] =	vst.add.f32.msk $0xffff, v5  }
0xdd: {  	s18 =	sadd.s32 $0x1000, s18;
	[tilespmem:s16+$0xA050] =	vst.add.f32.msk $0xffff, v6  }
0xde: {  	s12 =	sadd.s32 $0x1, s12  }
0xdf: {  	p0 =	sne.s32 s12, $0x8  }
.Ltmp7:
0xe0: {  	_ = 	snop;
	(pc) =	sbr.rel @p0 .LBB2_15-.Ltmp7, $2  }
0xe1: {  	_ =	sdelay $0x2  }
0xe2: {  	[tilespmem:s16+$0xA060] =	vst.add.f32.msk $0xffff, v0;
	s11 =	sadd.s32 $0x200, s11  }
0xe3: {  	s11 =	rddreg [dreg:$0x10]  }
0xe4: {  	s18 =	simm.s32 $0xA000;
	s10 =	sadd.s32 s10, s11  }
0xe5: {  	[hbm4b:s10+s5] =	stream.linear.scatter [tilespmem:s18], [sflag:$0xD], $0x2000, $0x38;
	[tilespmem:$0x14000] =	vst v63  }
0xe6: {  	_ =	swait.ge [sflag:s25], $0x2000  }
0xe7: {  	p0 =	seq.s32 s22, $0xF;
	[sflag:s25] =	ssyncset.done $0x0  }
0xe8: {  	s10 =	simm.s32 @p0 $0x6;
	[sflag:s25] =	ssyncadd.s32 $0xFFFFE000  }
0xe9: {  	_ =	swait.ge @p0 [sflag:s10], $0x2000  }
0xea: {  	[sflag:s10] =	ssyncset.done @p0 $0x0  }
0xeb: {  	[sflag:s10] =	ssyncadd.s32 @p0 $0xFFFFE000;
	s10 =	simm.s32 @p0 $0xA  }
0xec: {  	_ =	swait.ge @p0 [sflag:s10], $0x2000  }
0xed: {  	s11 =	rddreg [dreg:$0x11]  }
0xee: {  	s7 =	sadd.s32 @!p0 s7, s11  }
0xef: {  	[sflag:s10] =	ssyncset.done @p0 $0x0;
	s7 =	sshll.u32 @!p0 s7, $0x7  }
0xf0: {  	[sflag:s10] =	ssyncadd.s32 @p0 $0xFFFFE000;
	s11 =	simm.s32 @!p0 $0x0;
	s10 =	sadd.s32 @!p0 s19, s7  }
0xf1: {  	[tilespmem:s11], [sflag:$0x1] =	stream.linear.gather @!p0 [hbm4b:s10+s11], $0x2000, $0x38;
	[tilespmem:$0x14000] =	vst v63  }
0xf2: {  	s10 =	simm.s32 @!p0 $0x6  }
0xf3: {  	_ =	swait.ge @!p0 [sflag:s10], $0x2000  }
0xf4: {  	[sflag:s10] =	ssyncset.done @!p0 $0x0  }
0xf5: {  	[sflag:s10] =	ssyncadd.s32 @!p0 $0xFFFFE000;
	s10 =	simm.s32 @!p0 $0xA  }
0xf6: {  	_ =	swait.ge @!p0 [sflag:s10], $0x2000  }
0xf7: {  	[sflag:s10] =	ssyncset.done @!p0 $0x0  }
0xf8: {  	s12 =	simm.s32 @!p0 $0x4000;
	[sflag:s10] =	ssyncadd.s32 @!p0 $0xFFFFE000;
	s10 =	sadd.s32 @!p0 s1, s7  }
0xf9: {  	[tilespmem:s12], [sflag:$0x2] =	stream.linear.gather @!p0 [hbm4b:s10+s11], $0x2000, $0x38;
	[tilespmem:$0x14000] =	vst v63  }
0xfa: {  	s10 =	simm.s32 $0x0;
	s11 =	simm.s32 $0x0  }
.LBB2_19:
0xfb: {  	s12 =	sshra.s32 s10, $0x2  }
0xfc: {  	v0 =	vld [tilespmem:s12+$0x2070]  }
0xfd: {  	v1 =	vld [tilespmem:s12+$0x2000]  }
0xfe: {  	v2 =	vld [tilespmem:s12+$0x2010]  }
0xff: {  	v3 =	vld [tilespmem:s12+$0x2020]  }
0x100: {  	v4 =	vld [tilespmem:s12+$0x2030]  }
0x101: {  	v5 =	vld [tilespmem:s12+$0x2040]  }
0x102: {  	v6 =	vld [tilespmem:s12+$0x2050]  }
0x103: {  	[tilespmem:s12+$0xC070] =	vst.add.f32.msk $0xffff, v0  }
0x104: {  	v0 =	vld [tilespmem:s12+$0x2060]  }
0x105: {  	[tilespmem:s12+$0xC000] =	vst.add.f32.msk $0xffff, v1  }
0x106: {  	[tilespmem:s12+$0xC010] =	vst.add.f32.msk $0xffff, v2  }
0x107: {  	[tilespmem:s12+$0xC020] =	vst.add.f32.msk $0xffff, v3  }
0x108: {  	[tilespmem:s12+$0xC030] =	vst.add.f32.msk $0xffff, v4  }
0x109: {  	[tilespmem:s12+$0xC040] =	vst.add.f32.msk $0xffff, v5  }
0x10a: {  	s16 =	simm.s32 $0x0;
	s17 =	sadd.s32 $0x1000, s10;
	[tilespmem:s12+$0xC050] =	vst.add.f32.msk $0xffff, v6  }
.LBB2_20:
0x10b: {  	s16 =	sadd.s32 $0x8, s16;
	[tilespmem:s12+$0xC060] =	vst.add.f32.msk $0xffff, v0;
	s12 =	sshra.s32 s17, $0x2  }
0x10c: {  	v0 =	vld [tilespmem:s12+$0x2070];
	p1 =	slt.u32 s16, $0x38  }
0x10d: {  	v1 =	vld [tilespmem:s12+$0x2000]  }
0x10e: {  	v2 =	vld [tilespmem:s12+$0x2010]  }
0x10f: {  	v3 =	vld [tilespmem:s12+$0x2020]  }
0x110: {  	v4 =	vld [tilespmem:s12+$0x2030]  }
0x111: {  	[tilespmem:s12+$0xC070] =	vst.add.f32.msk $0xffff, v0  }
0x112: {  	v5 =	vld [tilespmem:s12+$0x2040]  }
0x113: {  	v6 =	vld [tilespmem:s12+$0x2050]  }
0x114: {  	v0 =	vld [tilespmem:s12+$0x2060]  }
0x115: {  	[tilespmem:s12+$0xC000] =	vst.add.f32.msk $0xffff, v1  }
.Ltmp8:
0x116: {  	[tilespmem:s12+$0xC010] =	vst.add.f32.msk $0xffff, v2;
	(pc) =	sbr.rel @p1 .LBB2_20-.Ltmp8, $4  }
0x117: {  	[tilespmem:s12+$0xC020] =	vst.add.f32.msk $0xffff, v3  }
0x118: {  	[tilespmem:s12+$0xC030] =	vst.add.f32.msk $0xffff, v4  }
0x119: {  	[tilespmem:s12+$0xC040] =	vst.add.f32.msk $0xffff, v5  }
0x11a: {  	s17 =	sadd.s32 $0x1000, s17;
	[tilespmem:s12+$0xC050] =	vst.add.f32.msk $0xffff, v6  }
0x11b: {  	s11 =	sadd.s32 $0x1, s11  }
0x11c: {  	p1 =	sne.s32 s11, $0x8  }
.Ltmp9:
0x11d: {  	_ = 	snop;
	(pc) =	sbr.rel @p1 .LBB2_19-.Ltmp9, $2  }
0x11e: {  	_ =	sdelay $0x2  }
0x11f: {  	[tilespmem:s12+$0xC060] =	vst.add.f32.msk $0xffff, v0;
	s10 =	sadd.s32 $0x200, s10  }
0x120: {  	s10 =	sadd.s32 s4, s23  }
0x121: {  	[hbm4b:s10+s5] =	stream.linear.scatter [tilespmem:s29], [sflag:$0xE], $0x2000, $0x38;
	[tilespmem:$0x14000] =	vst v63  }
0x122: {  	_ =	swait.ge [sflag:s13], $0x2000  }
0x123: {  	[sflag:s13] =	ssyncset.done $0x0  }
0x124: {  	[sflag:s13] =	ssyncadd.s32 $0xFFFFE000  }
0x125: {  	_ =	swait.ge [sflag:s14], $0x2000  }
0x126: {  	s11 =	simm.s32 @!p0 $0x0;
	[sflag:s14] =	ssyncset.done $0x0;
	s10 =	rddreg [dreg:$0x8]  }
0x127: {  	s12 =	simm.s32 @!p0 $0x6000;
	[sflag:s14] =	ssyncadd.s32 $0xFFFFE000;
	s10 =	sadd.s32 @!p0 s7, s10  }
0x128: {  	[tilespmem:s12], [sflag:$0x3] =	stream.linear.gather @!p0 [hbm4b:s10+s11], $0x2000, $0x38;
	[tilespmem:$0x14000] =	vst v63  }
0x129: {  	s10 =	simm.s32 $0x0;
	s11 =	simm.s32 $0x0  }
.LBB2_23:
0x12a: {  	s12 =	sshra.s32 s10, $0x2  }
0x12b: {  	v0 =	vld [tilespmem:s12+$0x2070]  }
0x12c: {  	v1 =	vld [tilespmem:s12+$0x2000]  }
0x12d: {  	v2 =	vld [tilespmem:s12+$0x2010]  }
0x12e: {  	v3 =	vld [tilespmem:s12+$0x2020]  }
0x12f: {  	v4 =	vld [tilespmem:s12+$0x2030]  }
0x130: {  	v5 =	vld [tilespmem:s12+$0x2040]  }
0x131: {  	v6 =	vld [tilespmem:s12+$0x2050]  }
0x132: {  	[tilespmem:s12+$0xE070] =	vst.add.f32.msk $0xffff, v0  }
0x133: {  	v0 =	vld [tilespmem:s12+$0x2060]  }
0x134: {  	[tilespmem:s12+$0xE000] =	vst.add.f32.msk $0xffff, v1  }
0x135: {  	[tilespmem:s12+$0xE010] =	vst.add.f32.msk $0xffff, v2  }
0x136: {  	[tilespmem:s12+$0xE020] =	vst.add.f32.msk $0xffff, v3  }
0x137: {  	[tilespmem:s12+$0xE030] =	vst.add.f32.msk $0xffff, v4  }
0x138: {  	[tilespmem:s12+$0xE040] =	vst.add.f32.msk $0xffff, v5  }
0x139: {  	s16 =	simm.s32 $0x0;
	s17 =	sadd.s32 $0x1000, s10;
	[tilespmem:s12+$0xE050] =	vst.add.f32.msk $0xffff, v6  }
.LBB2_24:
0x13a: {  	s16 =	sadd.s32 $0x8, s16;
	[tilespmem:s12+$0xE060] =	vst.add.f32.msk $0xffff, v0;
	s12 =	sshra.s32 s17, $0x2  }
0x13b: {  	v0 =	vld [tilespmem:s12+$0x2070];
	p1 =	slt.u32 s16, $0x38  }
0x13c: {  	v1 =	vld [tilespmem:s12+$0x2000]  }
0x13d: {  	v2 =	vld [tilespmem:s12+$0x2010]  }
0x13e: {  	v3 =	vld [tilespmem:s12+$0x2020]  }
0x13f: {  	v4 =	vld [tilespmem:s12+$0x2030]  }
0x140: {  	[tilespmem:s12+$0xE070] =	vst.add.f32.msk $0xffff, v0  }
0x141: {  	v5 =	vld [tilespmem:s12+$0x2040]  }
0x142: {  	v6 =	vld [tilespmem:s12+$0x2050]  }
0x143: {  	v0 =	vld [tilespmem:s12+$0x2060]  }
0x144: {  	[tilespmem:s12+$0xE000] =	vst.add.f32.msk $0xffff, v1  }
.Ltmp10:
0x145: {  	[tilespmem:s12+$0xE010] =	vst.add.f32.msk $0xffff, v2;
	(pc) =	sbr.rel @p1 .LBB2_24-.Ltmp10, $4  }
0x146: {  	[tilespmem:s12+$0xE020] =	vst.add.f32.msk $0xffff, v3  }
0x147: {  	[tilespmem:s12+$0xE030] =	vst.add.f32.msk $0xffff, v4  }
0x148: {  	[tilespmem:s12+$0xE040] =	vst.add.f32.msk $0xffff, v5  }
0x149: {  	s17 =	sadd.s32 $0x1000, s17;
	[tilespmem:s12+$0xE050] =	vst.add.f32.msk $0xffff, v6  }
0x14a: {  	s11 =	sadd.s32 $0x1, s11  }
0x14b: {  	p1 =	sne.s32 s11, $0x8  }
.Ltmp11:
0x14c: {  	_ = 	snop;
	(pc) =	sbr.rel @p1 .LBB2_23-.Ltmp11, $2  }
0x14d: {  	_ =	sdelay $0x2  }
0x14e: {  	[tilespmem:s12+$0xE060] =	vst.add.f32.msk $0xffff, v0;
	s10 =	sadd.s32 $0x200, s10  }
0x14f: {  	s10 =	sadd.s32 s4, s24  }
0x150: {  	[hbm4b:s10+s5] =	stream.linear.scatter [tilespmem:s31], [sflag:$0xF], $0x2000, $0x38;
	[tilespmem:$0x14000] =	vst v63  }
0x151: {  	_ =	swait.ge [sflag:s15], $0x2000  }
0x152: {  	[sflag:s15] =	ssyncset.done $0x0  }
0x153: {  	[sflag:s15] =	ssyncadd.s32 $0xFFFFE000  }
0x154: {  	_ =	swait.ge [sflag:s20], $0x2000  }
0x155: {  	s11 =	simm.s32 @!p0 $0x0;
	[sflag:s20] =	ssyncset.done $0x0;
	s10 =	rddreg [dreg:$0x9]  }
0x156: {  	s12 =	simm.s32 @!p0 $0x8000;
	[sflag:s20] =	ssyncadd.s32 $0xFFFFE000;
	s10 =	sadd.s32 @!p0 s7, s10  }
0x157: {  	[tilespmem:s12], [sflag:$0x4] =	stream.linear.gather @!p0 [hbm4b:s10+s11], $0x2000, $0x38;
	[tilespmem:$0x14000] =	vst v63  }
0x158: {  	s10 =	simm.s32 $0x0;
	s11 =	simm.s32 $0x0  }
.LBB2_27:
0x159: {  	s12 =	sshra.s32 s10, $0x2  }
0x15a: {  	v0 =	vld [tilespmem:s12+$0x2070]  }
0x15b: {  	v1 =	vld [tilespmem:s12+$0x2000]  }
0x15c: {  	v2 =	vld [tilespmem:s12+$0x2010]  }
0x15d: {  	v3 =	vld [tilespmem:s12+$0x2020]  }
0x15e: {  	v4 =	vld [tilespmem:s12+$0x2030]  }
0x15f: {  	v5 =	vld [tilespmem:s12+$0x2040]  }
0x160: {  	v6 =	vld [tilespmem:s12+$0x2050]  }
0x161: {  	[tilespmem:s12+$0x10070] =	vst.add.f32.msk $0xffff, v0  }
0x162: {  	v0 =	vld [tilespmem:s12+$0x2060]  }
0x163: {  	[tilespmem:s12+$0x10000] =	vst.add.f32.msk $0xffff, v1  }
0x164: {  	[tilespmem:s12+$0x10010] =	vst.add.f32.msk $0xffff, v2  }
0x165: {  	[tilespmem:s12+$0x10020] =	vst.add.f32.msk $0xffff, v3  }
0x166: {  	[tilespmem:s12+$0x10030] =	vst.add.f32.msk $0xffff, v4  }
0x167: {  	[tilespmem:s12+$0x10040] =	vst.add.f32.msk $0xffff, v5  }
0x168: {  	s16 =	simm.s32 $0x0;
	s17 =	sadd.s32 $0x1000, s10;
	[tilespmem:s12+$0x10050] =	vst.add.f32.msk $0xffff, v6  }
.LBB2_28:
0x169: {  	s16 =	sadd.s32 $0x8, s16;
	[tilespmem:s12+$0x10060] =	vst.add.f32.msk $0xffff, v0;
	s12 =	sshra.s32 s17, $0x2  }
0x16a: {  	v0 =	vld [tilespmem:s12+$0x2070];
	p1 =	slt.u32 s16, $0x38  }
0x16b: {  	v1 =	vld [tilespmem:s12+$0x2000]  }
0x16c: {  	v2 =	vld [tilespmem:s12+$0x2010]  }
0x16d: {  	v3 =	vld [tilespmem:s12+$0x2020]  }
0x16e: {  	v4 =	vld [tilespmem:s12+$0x2030]  }
0x16f: {  	[tilespmem:s12+$0x10070] =	vst.add.f32.msk $0xffff, v0  }
0x170: {  	v5 =	vld [tilespmem:s12+$0x2040]  }
0x171: {  	v6 =	vld [tilespmem:s12+$0x2050]  }
0x172: {  	v0 =	vld [tilespmem:s12+$0x2060]  }
0x173: {  	[tilespmem:s12+$0x10000] =	vst.add.f32.msk $0xffff, v1  }
.Ltmp12:
0x174: {  	[tilespmem:s12+$0x10010] =	vst.add.f32.msk $0xffff, v2;
	(pc) =	sbr.rel @p1 .LBB2_28-.Ltmp12, $4  }
0x175: {  	[tilespmem:s12+$0x10020] =	vst.add.f32.msk $0xffff, v3  }
0x176: {  	[tilespmem:s12+$0x10030] =	vst.add.f32.msk $0xffff, v4  }
0x177: {  	[tilespmem:s12+$0x10040] =	vst.add.f32.msk $0xffff, v5  }
0x178: {  	s17 =	sadd.s32 $0x1000, s17;
	[tilespmem:s12+$0x10050] =	vst.add.f32.msk $0xffff, v6  }
0x179: {  	s11 =	sadd.s32 $0x1, s11  }
0x17a: {  	p1 =	sne.s32 s11, $0x8  }
.Ltmp13:
0x17b: {  	_ = 	snop;
	(pc) =	sbr.rel @p1 .LBB2_27-.Ltmp13, $2  }
0x17c: {  	_ =	sdelay $0x2  }
0x17d: {  	[tilespmem:s12+$0x10060] =	vst.add.f32.msk $0xffff, v0;
	s10 =	sadd.s32 $0x200, s10  }
0x17e: {  	s3 =	sadd.s32 s4, s3  }
0x17f: {  	[hbm4b:s3+s5] =	stream.linear.scatter [tilespmem:s2], [sflag:$0x10], $0x2000, $0x38;
	[tilespmem:$0x14000] =	vst v63  }
0x180: {  	_ =	swait.ge [sflag:s26], $0x2000  }
0x181: {  	[sflag:s26] =	ssyncset.done $0x0  }
0x182: {  	[sflag:s26] =	ssyncadd.s32 $0xFFFFE000  }
0x183: {  	_ =	swait.ge [sflag:s21], $0x2000  }
0x184: {  	s10 =	simm.s32 @!p0 $0xA000;
	[sflag:s21] =	ssyncset.done $0x0;
	s3 =	rddreg [dreg:$0xa]  }
0x185: {  	[sflag:s21] =	ssyncadd.s32 $0xFFFFE000;
	s3 =	sadd.s32 @!p0 s7, s3;
	s7 =	simm.s32 @!p0 $0x0  }
0x186: {  	[tilespmem:s10], [sflag:$0x5] =	stream.linear.gather @!p0 [hbm4b:s3+s7], $0x2000, $0x38;
	[tilespmem:$0x14000] =	vst v63  }
0x187: {  	s3 =	simm.s32 $0x0;
	s7 =	simm.s32 $0x0  }
.LBB2_31:
0x188: {  	s10 =	sshra.s32 s3, $0x2  }
0x189: {  	v0 =	vld [tilespmem:s10+$0x2070]  }
0x18a: {  	v1 =	vld [tilespmem:s10+$0x2000]  }
0x18b: {  	v2 =	vld [tilespmem:s10+$0x2010]  }
0x18c: {  	v3 =	vld [tilespmem:s10+$0x2020]  }
0x18d: {  	v4 =	vld [tilespmem:s10+$0x2030]  }
0x18e: {  	v5 =	vld [tilespmem:s10+$0x2040]  }
0x18f: {  	v6 =	vld [tilespmem:s10+$0x2050]  }
0x190: {  	[tilespmem:s10+$0x12070] =	vst.add.f32.msk $0xffff, v0  }
0x191: {  	v0 =	vld [tilespmem:s10+$0x2060]  }
0x192: {  	[tilespmem:s10+$0x12000] =	vst.add.f32.msk $0xffff, v1  }
0x193: {  	[tilespmem:s10+$0x12010] =	vst.add.f32.msk $0xffff, v2  }
0x194: {  	[tilespmem:s10+$0x12020] =	vst.add.f32.msk $0xffff, v3  }
0x195: {  	[tilespmem:s10+$0x12030] =	vst.add.f32.msk $0xffff, v4  }
0x196: {  	[tilespmem:s10+$0x12040] =	vst.add.f32.msk $0xffff, v5  }
0x197: {  	s11 =	simm.s32 $0x0;
	s12 =	sadd.s32 $0x1000, s3;
	[tilespmem:s10+$0x12050] =	vst.add.f32.msk $0xffff, v6  }
.LBB2_32:
0x198: {  	s11 =	sadd.s32 $0x8, s11;
	[tilespmem:s10+$0x12060] =	vst.add.f32.msk $0xffff, v0;
	s10 =	sshra.s32 s12, $0x2  }
0x199: {  	v0 =	vld [tilespmem:s10+$0x2070];
	p0 =	slt.u32 s11, $0x38  }
0x19a: {  	v1 =	vld [tilespmem:s10+$0x2000]  }
0x19b: {  	v2 =	vld [tilespmem:s10+$0x2010]  }
0x19c: {  	v3 =	vld [tilespmem:s10+$0x2020]  }
0x19d: {  	v4 =	vld [tilespmem:s10+$0x2030]  }
0x19e: {  	[tilespmem:s10+$0x12070] =	vst.add.f32.msk $0xffff, v0  }
0x19f: {  	v5 =	vld [tilespmem:s10+$0x2040]  }
0x1a0: {  	v6 =	vld [tilespmem:s10+$0x2050]  }
0x1a1: {  	v0 =	vld [tilespmem:s10+$0x2060]  }
0x1a2: {  	[tilespmem:s10+$0x12000] =	vst.add.f32.msk $0xffff, v1  }
.Ltmp14:
0x1a3: {  	[tilespmem:s10+$0x12010] =	vst.add.f32.msk $0xffff, v2;
	(pc) =	sbr.rel @p0 .LBB2_32-.Ltmp14, $4  }
0x1a4: {  	[tilespmem:s10+$0x12020] =	vst.add.f32.msk $0xffff, v3  }
0x1a5: {  	[tilespmem:s10+$0x12030] =	vst.add.f32.msk $0xffff, v4  }
0x1a6: {  	[tilespmem:s10+$0x12040] =	vst.add.f32.msk $0xffff, v5  }
0x1a7: {  	s12 =	sadd.s32 $0x1000, s12;
	[tilespmem:s10+$0x12050] =	vst.add.f32.msk $0xffff, v6  }
0x1a8: {  	s7 =	sadd.s32 $0x1, s7  }
0x1a9: {  	p0 =	sne.s32 s7, $0x8  }
.Ltmp15:
0x1aa: {  	_ = 	snop;
	(pc) =	sbr.rel @p0 .LBB2_31-.Ltmp15, $2  }
0x1ab: {  	_ =	sdelay $0x2  }
0x1ac: {  	[tilespmem:s10+$0x12060] =	vst.add.f32.msk $0xffff, v0;
	s3 =	sadd.s32 $0x200, s3  }
0x1ad: {  	s22 =	sadd.s32 $0x1, s22  }
0x1ae: {  	p0 =	sne.s32 s22, $0x10  }
.Ltmp16:
0x1af: {  	_ = 	snop;
	(pc) =	sbr.rel @p0 .LBB2_2-.Ltmp16, $3  }
0x1b0: {  	_ =	sdelay $0x1  }
0x1b1: {  	s3 =	sadd.s32 s4, s6  }
0x1b2: {  	[hbm4b:s3+s5] =	stream.linear.scatter [tilespmem:s9], [sflag:$0x11], $0x2000, $0x38;
	[tilespmem:$0x14000] =	vst v63  }
0x1b3: {  	s3 =	simm.s32 $0xE  }
0x1b4: {  	_ =	swait.ge [sflag:s3], $0x2000  }
0x1b5: {  	[sflag:s3] =	ssyncset.done $0x0  }
0x1b6: {  	s22 =	simm.s32 $0xF;
	[sflag:s3] =	ssyncadd.s32 $0xFFFFE000  }
0x1b7: {  	_ =	swait.ge [sflag:s22], $0x2000  }
0x1b8: {  	[sflag:s22] =	ssyncset.done $0x0  }
0x1b9: {  	s23 =	simm.s32 $0x10;
	[sflag:s22] =	ssyncadd.s32 $0xFFFFE000  }
0x1ba: {  	_ =	swait.ge [sflag:s23], $0x2000  }
0x1bb: {  	[sflag:s23] =	ssyncset.done $0x0  }
0x1bc: {  	s6 =	simm.s32 $0x11;
	[sflag:s23] =	ssyncadd.s32 $0xFFFFE000  }
0x1bd: {  	_ =	swait.ge [sflag:s6], $0x2000  }
0x1be: {  	s7 =	rddreg [dreg:$0x13]  }
0x1bf: {  	s24 =	rddreg [dreg:$0x12];
	s7 =	sadd.s32 $0x1, s7  }
0x1c0: {  	p0 =	sne.s32 s7, s24  }
.Ltmp17:
0x1c1: {  	_ = 	snop;
	(pc) =	sbr.rel @p0 .LBB2_1-.Ltmp17, $3  }
0x1c2: {  	_ =	sdelay $0x1  }
0x1c3: {  	[sflag:s6] =	ssyncset.done $0x0  }
0x1c4: {  	[sflag:s6] =	ssyncadd.s32 $0xFFFFE000  }
0x1c5: {  	_ =	sfence.sel $0x180000  }
0x1c6: {  	[bflag:$0x0] =	sbarrier.arrive $0xFFFF  }
0x1c7: {  	_ =	strace $0x90000047  }
0x1c8: {  	s0 =	stileid.u32;
	[bflag:$0x2] =	sbarrier.arrive $0xFFFF  }
0x1c9: {  	p0 =	sne.s32 s0, $0x0;
	s0 =	rddreg [dreg:$0x3]  }
0x1ca: {  	s0 =	sadd.s32 @!p0 $0x100000, s0  }
0x1cb: {  	[sflag:s0] =	ssyncadd.tile.s32 @!p0 $0x1;
	_ =	shalt  }
.Lfunc_end2:
_tile_overlayer_lowered:
.L_overlay_start_2:
0x1cc: {  	(tag) =	ssettag $0x2  }
0x1cd: {  	s0 =	rddreg [dreg:$0x0];
	s2 =	stileid.u32  }
0x1ce: {  	s1 =	rddreg [dreg:$0x1];
	p0 =	sne.s32 s2, $0x0  }
0x1cf: {  	s3 =	rddreg [dreg:$0x2];
	[bflag:$0x3] =	sbarrier.arrive $0xFFFF;
	s2 =	simm.s32 @!p0 $0x1C12  }
0x1d0: {  	[timem:s3], [sflag:s2] =	dma.local @!p0 [hbm:s0], s1  }
0x1d1: {  	s0 =	simm.s32 @!p0 $0x12  }
0x1d2: {  	_ =	swait.ge @!p0 [sflag:s0], s1  }
0x1d3: {  	s1 =	ssub.s32 @!p0 $0x0, s1;
	[sflag:s0] =	ssyncset.done @!p0 $0x0  }
0x1d4: {  	[sflag:s0] =	ssyncadd.s32 @!p0 s1  }
0x1d5: {  	[bflag:$0x3] =	sbarrier.arrive $0xFFFF  }
0x1d6: {  	_ =	shalt  }

</sc_bundles>
